<compile_context>
chip_gen: v7x
topology: tpu7x:2x2x1
jax: 0.10.2.dev20260603
libtpu: 0.0.44.dev20260713+nightly
codegen_flags: <defaults>
</compile_context>

<pallas_src>
import jax
import jax.numpy as jnp
from jax import lax
from jax.experimental import pallas as pl
from jax.experimental.pallas import tpu as pltpu
from jax.experimental.pallas import tpu_sc as plsc

N = 10000
NP = 10240
D = 128
H = 128
OUT = 2
E = 320000

NC = 2
NS = 16
NW = NC * NS
CH = 128
NCHUNK = 79
EPAD = NW * NCHUNK * CH
ROWS_PT = NP // NS
DEGW = 16

BLK = 1024


def _sc_agg_body(x_hbm, src_hbm, dst_hbm, zf_hbm, agg_hbm,
                 src_v, dst_v, rows_v, acc, gsem):
    c = lax.axis_index("c")
    s = lax.axis_index("s")

    r0 = s * ROWS_PT
    pltpu.sync_copy(zf_hbm.at[pl.ds(r0, ROWS_PT)], acc.at[pl.ds(r0, ROWS_PT)])
    pltpu.sync_copy(src_hbm.at[c, s], src_v)
    pltpu.sync_copy(dst_hbm.at[c, s], dst_v)
    plsc.subcore_barrier()

    def chunk(j, carry):
        pltpu.async_copy(x_hbm.at[src_v.at[j]], rows_v, gsem).wait()
        pltpu.sync_copy(rows_v, acc.at[dst_v.at[j]], add=True)
        return carry

    lax.fori_loop(0, NCHUNK, chunk, 0)
    plsc.subcore_barrier()

    pltpu.sync_copy(acc.at[pl.ds(r0, ROWS_PT)], agg_hbm.at[c, pl.ds(r0, ROWS_PT)])


def _sc_agg(x, src, dst, zf):
    mesh = plsc.VectorSubcoreMesh(
        core_axis_name="c", subcore_axis_name="s",
        num_cores=NC, num_subcores=NS)
    return pl.kernel(
        _sc_agg_body,
        out_type=jax.ShapeDtypeStruct((NC, NP, D), jnp.float32),
        mesh=mesh,
        scratch_types=[
            pltpu.VMEM((NCHUNK, CH), jnp.int32),
            pltpu.VMEM((NCHUNK, CH), jnp.int32),
            pltpu.VMEM((CH, D), jnp.float32),
            pltpu.VMEM_SHARED((NP, D), jnp.float32),
            pltpu.SemaphoreType.DMA,
        ])(x, src, dst, zf)


def _sc_deg_body(dst1_hbm, dst2_hbm, zd_hbm, ones_hbm,
                 deg1_hbm, deg2_hbm,
                 dst1_v, dst2_v, ones_v, dacc1, dacc2):
    c = lax.axis_index("c")
    s = lax.axis_index("s")

    pltpu.sync_copy(dst1_hbm.at[c, s], dst1_v)
    pltpu.sync_copy(dst2_hbm.at[c, s], dst2_v)
    pltpu.sync_copy(ones_hbm, ones_v)

    r0 = s * ROWS_PT
    pltpu.sync_copy(zd_hbm.at[pl.ds(r0, ROWS_PT)], dacc1.at[pl.ds(r0, ROWS_PT)])
    pltpu.sync_copy(zd_hbm.at[pl.ds(r0, ROWS_PT)], dacc2.at[pl.ds(r0, ROWS_PT)])
    plsc.subcore_barrier()

    def chunk(j, carry):
        pltpu.sync_copy(ones_v, dacc1.at[dst1_v.at[j]], add=True)
        pltpu.sync_copy(ones_v, dacc2.at[dst2_v.at[j]], add=True)
        return carry

    lax.fori_loop(0, NCHUNK, chunk, 0)
    plsc.subcore_barrier()

    pltpu.sync_copy(dacc1.at[pl.ds(r0, ROWS_PT)], deg1_hbm.at[c, pl.ds(r0, ROWS_PT)])
    pltpu.sync_copy(dacc2.at[pl.ds(r0, ROWS_PT)], deg2_hbm.at[c, pl.ds(r0, ROWS_PT)])


def _sc_deg(dst1, dst2, zd, ones):
    mesh = plsc.VectorSubcoreMesh(
        core_axis_name="c", subcore_axis_name="s",
        num_cores=NC, num_subcores=NS)
    return pl.kernel(
        _sc_deg_body,
        out_type=[jax.ShapeDtypeStruct((NC, NP, DEGW), jnp.float32),
                  jax.ShapeDtypeStruct((NC, NP, DEGW), jnp.float32)],
        mesh=mesh,
        compiler_params=pltpu.CompilerParams(use_tc_tiling_on_sc=False),
        scratch_types=[
            pltpu.VMEM((NCHUNK, CH), jnp.int32),
            pltpu.VMEM((NCHUNK, CH), jnp.int32),
            pltpu.VMEM((CH, DEGW), jnp.float32),
            pltpu.VMEM_SHARED((NP, DEGW), jnp.float32),
            pltpu.VMEM_SHARED((NP, DEGW), jnp.float32),
        ])(dst1, dst2, zd, ones)


def _tc_layer_body(x_ref, p0_ref, p1_ref, d0_ref, d1_ref,
                   ws_ref, wn_ref, b_ref, o_ref):
    cnt = jnp.sum(d0_ref[...] + d1_ref[...], axis=1, keepdims=True) * (1.0 / DEGW)
    deg = jnp.maximum(cnt, 1.0)
    agg = (p0_ref[...] + p1_ref[...]) / deg
    h = (jnp.dot(x_ref[...], ws_ref[...], preferred_element_type=jnp.float32)
         + jnp.dot(agg, wn_ref[...], preferred_element_type=jnp.float32)
         + b_ref[...])
    o_ref[...] = jnp.maximum(h, 0.0)


def _tc_final_body(x_ref, p0_ref, p1_ref, d0_ref, d1_ref,
                   ws_ref, wn_ref, b_ref, wf_ref, bf_ref, o_ref):
    cnt = jnp.sum(d0_ref[...] + d1_ref[...], axis=1, keepdims=True) * (1.0 / DEGW)
    deg = jnp.maximum(cnt, 1.0)
    agg = (p0_ref[...] + p1_ref[...]) / deg
    h = (jnp.dot(x_ref[...], ws_ref[...], preferred_element_type=jnp.float32)
         + jnp.dot(agg, wn_ref[...], preferred_element_type=jnp.float32)
         + b_ref[...])
    h = jnp.maximum(h, 0.0)
    o_ref[...] = (jnp.dot(h, wf_ref[...], preferred_element_type=jnp.float32)
                  + bf_ref[...])


def _row_blocked(width):
    return pl.BlockSpec((BLK, width), lambda i: (i, 0))


def _full(shape):
    return pl.BlockSpec(shape, lambda i: tuple(0 for _ in shape))


def _tc_layer(x, p0, p1, d0, d1, ws, wn, b):
    return pl.pallas_call(
        _tc_layer_body,
        grid=(NP // BLK,),
        in_specs=[_row_blocked(D), _row_blocked(D), _row_blocked(D),
                  _row_blocked(DEGW), _row_blocked(DEGW),
                  _full((D, H)), _full((D, H)), _full((1, H))],
        out_specs=_row_blocked(H),
        out_shape=jax.ShapeDtypeStruct((NP, H), jnp.float32),
    )(x, p0, p1, d0, d1, ws, wn, b)


def _tc_final(x, p0, p1, d0, d1, ws, wn, b, wf, bf):
    return pl.pallas_call(
        _tc_final_body,
        grid=(NP // BLK,),
        in_specs=[_row_blocked(H), _row_blocked(H), _row_blocked(H),
                  _row_blocked(DEGW), _row_blocked(DEGW),
                  _full((H, H)), _full((H, H)), _full((1, H)),
                  _full((H, H)), _full((1, H))],
        out_specs=_row_blocked(H),
        out_shape=jax.ShapeDtypeStruct((NP, H), jnp.float32),
    )(x, p0, p1, d0, d1, ws, wn, b, wf, bf)


def _pad_edges(e):
    pad = jnp.full((EPAD - E,), NP - 1, jnp.int32)
    return jnp.concatenate([e, pad]).reshape(NC, NS, NCHUNK, CH)


def kernel(x, edge_index1, edge_index2, W_self1, W_neigh1, b1,
           W_self2, W_neigh2, b2, W_fin, b_fin):
    src1 = _pad_edges(edge_index1[0])
    dst1 = _pad_edges(edge_index1[1])
    src2 = _pad_edges(edge_index2[0])
    dst2 = _pad_edges(edge_index2[1])

    zf = jnp.zeros((NP, D), jnp.float32)
    zd = jnp.zeros((NP, DEGW), jnp.float32)
    ones = jnp.ones((CH, DEGW), jnp.float32)
    x_p = jnp.pad(x, ((0, NP - N), (0, 0)))

    agg1 = _sc_agg(x_p, src1, dst1, zf)
    deg1, deg2 = _sc_deg(dst1, dst2, zd, ones)

    h1 = _tc_layer(x_p, agg1[0], agg1[1], deg1[0], deg1[1],
                   W_self1, W_neigh1, b1.reshape(1, H))

    agg2 = _sc_agg(h1, src2, dst2, zf)

    wf = jnp.zeros((H, H), jnp.float32).at[:, :OUT].set(W_fin)
    bf = jnp.zeros((1, H), jnp.float32).at[0, :OUT].set(b_fin)
    out = _tc_final(h1, agg2[0], agg2[1], deg2[0], deg2[1],
                    W_self2, W_neigh2, b2.reshape(1, H), wf, bf)
    return out[:N, :OUT]

# --- scband reference (transcript-rebuilt; emitter-appended) ---
"""Pipeline reference for scband-stochastic-network-67482526154938 (READ-ONLY COPY).

The authoritative reference and input builder live on the scoring server;
editing this copy changes nothing except your own understanding.
"""

import jax, jax.numpy as jnp
import numpy as np

N = 10000
E = 320000
D = 128
H = 128
OUT = 2

def setup_inputs(seed: int = 0) -> dict:
    key = jax.random.key(seed)
    ks = jax.random.split(key, 12)
    x = jax.random.normal(ks[0], (N, D), dtype=jnp.float32)
    edge_index1 = jax.random.randint(ks[1], (2, E), 0, N, dtype=jnp.int32)
    edge_index2 = jax.random.randint(ks[2], (2, E), 0, N, dtype=jnp.int32)
    s = 1.0 / np.sqrt(D)
    W_self1 = jax.random.uniform(ks[3], (D, H), jnp.float32, -s, s)
    W_neigh1 = jax.random.uniform(ks[4], (D, H), jnp.float32, -s, s)
    b1 = jnp.zeros((H,), jnp.float32)
    s2 = 1.0 / np.sqrt(H)
    W_self2 = jax.random.uniform(ks[5], (H, H), jnp.float32, -s2, s2)
    W_neigh2 = jax.random.uniform(ks[6], (H, H), jnp.float32, -s2, s2)
    b2 = jnp.zeros((H,), jnp.float32)
    W_fin = jax.random.uniform(ks[7], (H, OUT), jnp.float32, -s2, s2)
    b_fin = jnp.zeros((OUT,), jnp.float32)
    return {"x": x, "edge_index1": edge_index1, "edge_index2": edge_index2,
            "W_self1": W_self1, "W_neigh1": W_neigh1, "b1": b1,
            "W_self2": W_self2, "W_neigh2": W_neigh2, "b2": b2,
            "W_fin": W_fin, "b_fin": b_fin}

def _sage_conv(h, edge_index, W_self, W_neigh, b):
    # DGL SAGEConv, aggregator_type='mean', feat_drop=0 (eval mode):
    # rst = fc_self(h_dst) + fc_neigh(mean_{in-neighbors}(h_src))
    src = edge_index[0]
    dst = edge_index[1]
    msg = h[src]  # gather: [E, d]
    agg = jax.ops.segment_sum(msg, dst, num_segments=N)  # scatter-add
    deg = jax.ops.segment_sum(jnp.ones((edge_index.shape[1],), jnp.float32), dst, num_segments=N)
    agg = agg / jnp.maximum(deg, 1.0)[:, None]
    return h @ W_self + agg @ W_neigh + b

def reference(x, edge_index1, edge_index2, W_self1, W_neigh1, b1, W_self2, W_neigh2, b2, W_fin, b_fin):
    h = jax.nn.relu(_sage_conv(x, edge_index1, W_self1, W_neigh1, b1))
    h = jax.nn.relu(_sage_conv(h, edge_index2, W_self2, W_neigh2, b2))
    return h @ W_fin + b_fin

if __name__ == "__main__":
    import jax
    _d = setup_inputs()
    print(jax.jit(kernel)(*tuple(_d.values())))

</pallas_src>

<mosaic_0001>
#map = affine_map<(d0, d1) -> (0, 0, 0, 0)>
#map1 = affine_map<(d0, d1) -> (0, 0)>
#map2 = affine_map<(d0, d1) -> (0, 0, 0)>
module attributes {stable_mosaic.version = 14 : i64} {
  func.func @_sc_deg_body(%arg0: i32, %arg1: i32, %arg2: memref<2x16x79x128xi32, #tpu.memory_space<hbm>>, %arg3: memref<2x16x79x128xi32, #tpu.memory_space<hbm>>, %arg4: memref<10240x16xf32, #tpu.memory_space<hbm>>, %arg5: memref<128x16xf32, #tpu.memory_space<hbm>>, %arg6: memref<2x10240x16xf32, #tpu.memory_space<hbm>>, %arg7: memref<2x10240x16xf32, #tpu.memory_space<hbm>>, %arg8: memref<79x128xi32, #tpu.memory_space<vmem>>, %arg9: memref<79x128xi32, #tpu.memory_space<vmem>>, %arg10: memref<128x16xf32, #tpu.memory_space<vmem>>, %arg11: memref<10240x16xf32, #tpu.memory_space<vmem_shared>>, %arg12: memref<10240x16xf32, #tpu.memory_space<vmem_shared>>) attributes {dimension_semantics = [#tpu.dimension_semantics<core_parallel>, #tpu.dimension_semantics<subcore_parallel>], iteration_bounds = array<i64: 2, 16>, scalar_prefetch = 0 : i64, scratch_operands = 5 : i64, tpu.core_type = #tpu.core_type<sc_vector_subcore>, window_params = [{transform_indices = #map}, {transform_indices = #map}, {transform_indices = #map1}, {transform_indices = #map1}, {transform_indices = #map2}, {transform_indices = #map2}]} {
    "tpu.region"() ({
      %run_scoped3A = tpu.sem_alloc : memref<!tpu.dma_semaphore, #tpu.memory_space<semaphore_mem>>
      %dma_start3A = arith.constant 0 : i32
      %dma_start3A_7 = arith.constant 0 : i32
      %dma_start3A_8 = tpu.memref_slice %arg2[%arg0, %arg1, %dma_start3A, %dma_start3A_7] : memref<2x16x79x128xi32, #tpu.memory_space<hbm>> -> memref<1x1x79x128xi32, #tpu.memory_space<hbm>>
      %dma_start3A_9 = tpu.memref_squeeze %dma_start3A_8 : memref<1x1x79x128xi32, #tpu.memory_space<hbm>> -> memref<79x128xi32, #tpu.memory_space<hbm>>
      %dma_start3A_10 = arith.constant 0 : i32
      %dma_start3A_11 = arith.constant 0 : i32
      %dma_start3A_12 = tpu.memref_slice %arg2[%arg0, %arg1, %dma_start3A_10, %dma_start3A_11] : memref<2x16x79x128xi32, #tpu.memory_space<hbm>> -> memref<1x1x79x128xi32, #tpu.memory_space<hbm>>
      %dma_start3A_13 = tpu.memref_squeeze %dma_start3A_12 : memref<1x1x79x128xi32, #tpu.memory_space<hbm>> -> memref<79x128xi32, #tpu.memory_space<hbm>>
      tpu.enqueue_dma source(%dma_start3A_13 : memref<79x128xi32, #tpu.memory_space<hbm>>) target(%arg8 : memref<79x128xi32, #tpu.memory_space<vmem>>) target_semaphore(%run_scoped3A : memref<!tpu.dma_semaphore, #tpu.memory_space<semaphore_mem>>)
      %dma_wait3A = arith.constant 0 : i32
      %dma_wait3A_14 = arith.constant 0 : i32
      %dma_wait3A_15 = tpu.memref_slice %arg2[%arg0, %arg1, %dma_wait3A, %dma_wait3A_14] : memref<2x16x79x128xi32, #tpu.memory_space<hbm>> -> memref<1x1x79x128xi32, #tpu.memory_space<hbm>>
      %dma_wait3A_16 = tpu.memref_squeeze %dma_wait3A_15 : memref<1x1x79x128xi32, #tpu.memory_space<hbm>> -> memref<79x128xi32, #tpu.memory_space<hbm>>
      %dma_wait3A_17 = arith.constant 0 : i32
      %dma_wait3A_18 = arith.constant 0 : i32
      %dma_wait3A_19 = tpu.memref_slice %arg2[%arg0, %arg1, %dma_wait3A_17, %dma_wait3A_18] : memref<2x16x79x128xi32, #tpu.memory_space<hbm>> -> memref<1x1x79x128xi32, #tpu.memory_space<hbm>>
      %dma_wait3A_20 = tpu.memref_squeeze %dma_wait3A_19 : memref<1x1x79x128xi32, #tpu.memory_space<hbm>> -> memref<79x128xi32, #tpu.memory_space<hbm>>
      tpu.wait_dma2 semaphore(%run_scoped3A : memref<!tpu.dma_semaphore, #tpu.memory_space<semaphore_mem>>) src(%dma_wait3A_20 : memref<79x128xi32, #tpu.memory_space<hbm>>) dst(%arg8 : memref<79x128xi32, #tpu.memory_space<vmem>>)
      tpu.yield
    }) : () -> ()
    "tpu.region"() ({
      %run_scoped3A = tpu.sem_alloc : memref<!tpu.dma_semaphore, #tpu.memory_space<semaphore_mem>>
      %dma_start3A = arith.constant 0 : i32
      %dma_start3A_7 = arith.constant 0 : i32
      %dma_start3A_8 = tpu.memref_slice %arg3[%arg0, %arg1, %dma_start3A, %dma_start3A_7] : memref<2x16x79x128xi32, #tpu.memory_space<hbm>> -> memref<1x1x79x128xi32, #tpu.memory_space<hbm>>
      %dma_start3A_9 = tpu.memref_squeeze %dma_start3A_8 : memref<1x1x79x128xi32, #tpu.memory_space<hbm>> -> memref<79x128xi32, #tpu.memory_space<hbm>>
      %dma_start3A_10 = arith.constant 0 : i32
      %dma_start3A_11 = arith.constant 0 : i32
      %dma_start3A_12 = tpu.memref_slice %arg3[%arg0, %arg1, %dma_start3A_10, %dma_start3A_11] : memref<2x16x79x128xi32, #tpu.memory_space<hbm>> -> memref<1x1x79x128xi32, #tpu.memory_space<hbm>>
      %dma_start3A_13 = tpu.memref_squeeze %dma_start3A_12 : memref<1x1x79x128xi32, #tpu.memory_space<hbm>> -> memref<79x128xi32, #tpu.memory_space<hbm>>
      tpu.enqueue_dma source(%dma_start3A_13 : memref<79x128xi32, #tpu.memory_space<hbm>>) target(%arg9 : memref<79x128xi32, #tpu.memory_space<vmem>>) target_semaphore(%run_scoped3A : memref<!tpu.dma_semaphore, #tpu.memory_space<semaphore_mem>>)
      %dma_wait3A = arith.constant 0 : i32
      %dma_wait3A_14 = arith.constant 0 : i32
      %dma_wait3A_15 = tpu.memref_slice %arg3[%arg0, %arg1, %dma_wait3A, %dma_wait3A_14] : memref<2x16x79x128xi32, #tpu.memory_space<hbm>> -> memref<1x1x79x128xi32, #tpu.memory_space<hbm>>
      %dma_wait3A_16 = tpu.memref_squeeze %dma_wait3A_15 : memref<1x1x79x128xi32, #tpu.memory_space<hbm>> -> memref<79x128xi32, #tpu.memory_space<hbm>>
      %dma_wait3A_17 = arith.constant 0 : i32
      %dma_wait3A_18 = arith.constant 0 : i32
      %dma_wait3A_19 = tpu.memref_slice %arg3[%arg0, %arg1, %dma_wait3A_17, %dma_wait3A_18] : memref<2x16x79x128xi32, #tpu.memory_space<hbm>> -> memref<1x1x79x128xi32, #tpu.memory_space<hbm>>
      %dma_wait3A_20 = tpu.memref_squeeze %dma_wait3A_19 : memref<1x1x79x128xi32, #tpu.memory_space<hbm>> -> memref<79x128xi32, #tpu.memory_space<hbm>>
      tpu.wait_dma2 semaphore(%run_scoped3A : memref<!tpu.dma_semaphore, #tpu.memory_space<semaphore_mem>>) src(%dma_wait3A_20 : memref<79x128xi32, #tpu.memory_space<hbm>>) dst(%arg9 : memref<79x128xi32, #tpu.memory_space<vmem>>)
      tpu.yield
    }) : () -> ()
    "tpu.region"() ({
      %run_scoped3A = tpu.sem_alloc : memref<!tpu.dma_semaphore, #tpu.memory_space<semaphore_mem>>
      tpu.enqueue_dma source(%arg5 : memref<128x16xf32, #tpu.memory_space<hbm>>) target(%arg10 : memref<128x16xf32, #tpu.memory_space<vmem>>) target_semaphore(%run_scoped3A : memref<!tpu.dma_semaphore, #tpu.memory_space<semaphore_mem>>)
      tpu.wait_dma2 semaphore(%run_scoped3A : memref<!tpu.dma_semaphore, #tpu.memory_space<semaphore_mem>>) src(%arg5 : memref<128x16xf32, #tpu.memory_space<hbm>>) dst(%arg10 : memref<128x16xf32, #tpu.memory_space<vmem>>)
      tpu.yield
    }) : () -> ()
    %mul3A = arith.constant 640 : i32
    %mul3A_0 = arith.muli %arg1, %mul3A : i32
    "tpu.region"() ({
      %run_scoped3A = tpu.sem_alloc : memref<!tpu.dma_semaphore, #tpu.memory_space<semaphore_mem>>
      %dma_start3A = arith.constant 0 : i32
      %dma_start3A_7 = tpu.memref_slice %arg11[%mul3A_0, %dma_start3A] : memref<10240x16xf32, #tpu.memory_space<vmem_shared>> -> memref<640x16xf32, #tpu.memory_space<vmem_shared>>
      %dma_start3A_8 = arith.constant 0 : i32
      %dma_start3A_9 = tpu.memref_slice %arg4[%mul3A_0, %dma_start3A_8] : memref<10240x16xf32, #tpu.memory_space<hbm>> -> memref<640x16xf32, #tpu.memory_space<hbm>>
      tpu.enqueue_dma source(%dma_start3A_9 : memref<640x16xf32, #tpu.memory_space<hbm>>) target(%dma_start3A_7 : memref<640x16xf32, #tpu.memory_space<vmem_shared>>) target_semaphore(%run_scoped3A : memref<!tpu.dma_semaphore, #tpu.memory_space<semaphore_mem>>)
      %dma_wait3A = arith.constant 0 : i32
      %dma_wait3A_10 = tpu.memref_slice %arg11[%mul3A_0, %dma_wait3A] : memref<10240x16xf32, #tpu.memory_space<vmem_shared>> -> memref<640x16xf32, #tpu.memory_space<vmem_shared>>
      %dma_wait3A_11 = arith.constant 0 : i32
      %dma_wait3A_12 = tpu.memref_slice %arg4[%mul3A_0, %dma_wait3A_11] : memref<10240x16xf32, #tpu.memory_space<hbm>> -> memref<640x16xf32, #tpu.memory_space<hbm>>
      tpu.wait_dma2 semaphore(%run_scoped3A : memref<!tpu.dma_semaphore, #tpu.memory_space<semaphore_mem>>) src(%dma_wait3A_12 : memref<640x16xf32, #tpu.memory_space<hbm>>) dst(%dma_wait3A_10 : memref<640x16xf32, #tpu.memory_space<vmem_shared>>)
      tpu.yield
    }) : () -> ()
    "tpu.region"() ({
      %run_scoped3A = tpu.sem_alloc : memref<!tpu.dma_semaphore, #tpu.memory_space<semaphore_mem>>
      %dma_start3A = arith.constant 0 : i32
      %dma_start3A_7 = tpu.memref_slice %arg12[%mul3A_0, %dma_start3A] : memref<10240x16xf32, #tpu.memory_space<vmem_shared>> -> memref<640x16xf32, #tpu.memory_space<vmem_shared>>
      %dma_start3A_8 = arith.constant 0 : i32
      %dma_start3A_9 = tpu.memref_slice %arg4[%mul3A_0, %dma_start3A_8] : memref<10240x16xf32, #tpu.memory_space<hbm>> -> memref<640x16xf32, #tpu.memory_space<hbm>>
      tpu.enqueue_dma source(%dma_start3A_9 : memref<640x16xf32, #tpu.memory_space<hbm>>) target(%dma_start3A_7 : memref<640x16xf32, #tpu.memory_space<vmem_shared>>) target_semaphore(%run_scoped3A : memref<!tpu.dma_semaphore, #tpu.memory_space<semaphore_mem>>)
      %dma_wait3A = arith.constant 0 : i32
      %dma_wait3A_10 = tpu.memref_slice %arg12[%mul3A_0, %dma_wait3A] : memref<10240x16xf32, #tpu.memory_space<vmem_shared>> -> memref<640x16xf32, #tpu.memory_space<vmem_shared>>
      %dma_wait3A_11 = arith.constant 0 : i32
      %dma_wait3A_12 = tpu.memref_slice %arg4[%mul3A_0, %dma_wait3A_11] : memref<10240x16xf32, #tpu.memory_space<hbm>> -> memref<640x16xf32, #tpu.memory_space<hbm>>
      tpu.wait_dma2 semaphore(%run_scoped3A : memref<!tpu.dma_semaphore, #tpu.memory_space<semaphore_mem>>) src(%dma_wait3A_12 : memref<640x16xf32, #tpu.memory_space<hbm>>) dst(%dma_wait3A_10 : memref<640x16xf32, #tpu.memory_space<vmem_shared>>)
      tpu.yield
    }) : () -> ()
    %barrier3A = arith.constant 0 : index
    tpu.barrier barrier_id(%barrier3A)
    %scan3A = arith.constant 0 : i32
    %scan3A_1 = arith.constant 0 : i32
    %scan3A_2 = arith.constant 79 : i32
    %scan3A_3 = arith.addi %scan3A_1, %scan3A_2 : i32
    %scan3A_4 = arith.constant 1 : i32
    scf.for %scan3A_7 = %scan3A_1 to %scan3A_3 step %scan3A_4  : i32 {
      "tpu.region"() ({
        %run_scoped3A = tpu.sem_alloc : memref<!tpu.dma_semaphore, #tpu.memory_space<semaphore_mem>>
        %dma_start3A = arith.constant 0 : i32
        %dma_start3A_8 = tpu.memref_slice %arg8[%scan3A_7, %dma_start3A] : memref<79x128xi32, #tpu.memory_space<vmem>> -> memref<1x128xi32, #tpu.memory_space<vmem>>
        %dma_start3A_9 = tpu.memref_squeeze %dma_start3A_8 : memref<1x128xi32, #tpu.memory_space<vmem>> -> memref<128xi32, #tpu.memory_space<vmem>>
        %dma_start3A_10 = arith.constant 0 : i32
        %dma_start3A_11 = arith.constant 0 : i32
        %dma_start3A_12 = tpu.memref_slice %arg11[%dma_start3A_10, %dma_start3A_11] : memref<10240x16xf32, #tpu.memory_space<vmem_shared>> -> memref<10240x16xf32, #tpu.memory_space<vmem_shared>>
        tpu.enqueue_indirect_dma source(%arg10 : memref<128x16xf32, #tpu.memory_space<vmem>>) target(%dma_start3A_12 : memref<10240x16xf32, #tpu.memory_space<vmem_shared>>) offsets(%dma_start3A_9 : memref<128xi32, #tpu.memory_space<vmem>>) semaphore(%run_scoped3A : memref<!tpu.dma_semaphore, #tpu.memory_space<semaphore_mem>>) {add = true}
        %dma_wait3A = arith.constant 0 : i32
        %dma_wait3A_13 = tpu.memref_slice %arg8[%scan3A_7, %dma_wait3A] : memref<79x128xi32, #tpu.memory_space<vmem>> -> memref<1x128xi32, #tpu.memory_space<vmem>>
        %dma_wait3A_14 = tpu.memref_squeeze %dma_wait3A_13 : memref<1x128xi32, #tpu.memory_space<vmem>> -> memref<128xi32, #tpu.memory_space<vmem>>
        %dma_wait3A_15 = arith.constant 0 : i32
        %dma_wait3A_16 = arith.constant 0 : i32
        %dma_wait3A_17 = tpu.memref_slice %arg11[%dma_wait3A_15, %dma_wait3A_16] : memref<10240x16xf32, #tpu.memory_space<vmem_shared>> -> memref<10240x16xf32, #tpu.memory_space<vmem_shared>>
        tpu.wait_indirect_dma semaphore(%run_scoped3A : memref<!tpu.dma_semaphore, #tpu.memory_space<semaphore_mem>>) src(%arg10 : memref<128x16xf32, #tpu.memory_space<vmem>>) dst(%dma_wait3A_17 : memref<10240x16xf32, #tpu.memory_space<vmem_shared>>)
        tpu.yield
      }) : () -> ()
      "tpu.region"() ({
        %run_scoped3A = tpu.sem_alloc : memref<!tpu.dma_semaphore, #tpu.memory_space<semaphore_mem>>
        %dma_start3A = arith.constant 0 : i32
        %dma_start3A_8 = tpu.memref_slice %arg9[%scan3A_7, %dma_start3A] : memref<79x128xi32, #tpu.memory_space<vmem>> -> memref<1x128xi32, #tpu.memory_space<vmem>>
        %dma_start3A_9 = tpu.memref_squeeze %dma_start3A_8 : memref<1x128xi32, #tpu.memory_space<vmem>> -> memref<128xi32, #tpu.memory_space<vmem>>
        %dma_start3A_10 = arith.constant 0 : i32
        %dma_start3A_11 = arith.constant 0 : i32
        %dma_start3A_12 = tpu.memref_slice %arg12[%dma_start3A_10, %dma_start3A_11] : memref<10240x16xf32, #tpu.memory_space<vmem_shared>> -> memref<10240x16xf32, #tpu.memory_space<vmem_shared>>
        tpu.enqueue_indirect_dma source(%arg10 : memref<128x16xf32, #tpu.memory_space<vmem>>) target(%dma_start3A_12 : memref<10240x16xf32, #tpu.memory_space<vmem_shared>>) offsets(%dma_start3A_9 : memref<128xi32, #tpu.memory_space<vmem>>) semaphore(%run_scoped3A : memref<!tpu.dma_semaphore, #tpu.memory_space<semaphore_mem>>) {add = true}
        %dma_wait3A = arith.constant 0 : i32
        %dma_wait3A_13 = tpu.memref_slice %arg9[%scan3A_7, %dma_wait3A] : memref<79x128xi32, #tpu.memory_space<vmem>> -> memref<1x128xi32, #tpu.memory_space<vmem>>
        %dma_wait3A_14 = tpu.memref_squeeze %dma_wait3A_13 : memref<1x128xi32, #tpu.memory_space<vmem>> -> memref<128xi32, #tpu.memory_space<vmem>>
        %dma_wait3A_15 = arith.constant 0 : i32
        %dma_wait3A_16 = arith.constant 0 : i32
        %dma_wait3A_17 = tpu.memref_slice %arg12[%dma_wait3A_15, %dma_wait3A_16] : memref<10240x16xf32, #tpu.memory_space<vmem_shared>> -> memref<10240x16xf32, #tpu.memory_space<vmem_shared>>
        tpu.wait_indirect_dma semaphore(%run_scoped3A : memref<!tpu.dma_semaphore, #tpu.memory_space<semaphore_mem>>) src(%arg10 : memref<128x16xf32, #tpu.memory_space<vmem>>) dst(%dma_wait3A_17 : memref<10240x16xf32, #tpu.memory_space<vmem_shared>>)
        tpu.yield
      }) : () -> ()
    }
    %scan3A_5 = arith.constant 79 : i32
    %barrier3A_6 = arith.constant 0 : index
    tpu.barrier barrier_id(%barrier3A_6)
    "tpu.region"() ({
      %run_scoped3A = tpu.sem_alloc : memref<!tpu.dma_semaphore, #tpu.memory_space<semaphore_mem>>
      %dma_start3A = arith.constant 0 : i32
      %dma_start3A_7 = tpu.memref_slice %arg6[%arg0, %mul3A_0, %dma_start3A] : memref<2x10240x16xf32, #tpu.memory_space<hbm>> -> memref<1x640x16xf32, #tpu.memory_space<hbm>>
      %dma_start3A_8 = tpu.memref_squeeze %dma_start3A_7 : memref<1x640x16xf32, #tpu.memory_space<hbm>> -> memref<640x16xf32, #tpu.memory_space<hbm>>
      %dma_start3A_9 = arith.constant 0 : i32
      %dma_start3A_10 = tpu.memref_slice %arg11[%mul3A_0, %dma_start3A_9] : memref<10240x16xf32, #tpu.memory_space<vmem_shared>> -> memref<640x16xf32, #tpu.memory_space<vmem_shared>>
      tpu.enqueue_dma source(%dma_start3A_10 : memref<640x16xf32, #tpu.memory_space<vmem_shared>>) target(%dma_start3A_8 : memref<640x16xf32, #tpu.memory_space<hbm>>) target_semaphore(%run_scoped3A : memref<!tpu.dma_semaphore, #tpu.memory_space<semaphore_mem>>)
      %dma_wait3A = arith.constant 0 : i32
      %dma_wait3A_11 = tpu.memref_slice %arg6[%arg0, %mul3A_0, %dma_wait3A] : memref<2x10240x16xf32, #tpu.memory_space<hbm>> -> memref<1x640x16xf32, #tpu.memory_space<hbm>>
      %dma_wait3A_12 = tpu.memref_squeeze %dma_wait3A_11 : memref<1x640x16xf32, #tpu.memory_space<hbm>> -> memref<640x16xf32, #tpu.memory_space<hbm>>
      %dma_wait3A_13 = arith.constant 0 : i32
      %dma_wait3A_14 = tpu.memref_slice %arg11[%mul3A_0, %dma_wait3A_13] : memref<10240x16xf32, #tpu.memory_space<vmem_shared>> -> memref<640x16xf32, #tpu.memory_space<vmem_shared>>
      tpu.wait_dma2 semaphore(%run_scoped3A : memref<!tpu.dma_semaphore, #tpu.memory_space<semaphore_mem>>) src(%dma_wait3A_14 : memref<640x16xf32, #tpu.memory_space<vmem_shared>>) dst(%dma_wait3A_12 : memref<640x16xf32, #tpu.memory_space<hbm>>)
      tpu.yield
    }) : () -> ()
    "tpu.region"() ({
      %run_scoped3A = tpu.sem_alloc : memref<!tpu.dma_semaphore, #tpu.memory_space<semaphore_mem>>
      %dma_start3A = arith.constant 0 : i32
      %dma_start3A_7 = tpu.memref_slice %arg7[%arg0, %mul3A_0, %dma_start3A] : memref<2x10240x16xf32, #tpu.memory_space<hbm>> -> memref<1x640x16xf32, #tpu.memory_space<hbm>>
      %dma_start3A_8 = tpu.memref_squeeze %dma_start3A_7 : memref<1x640x16xf32, #tpu.memory_space<hbm>> -> memref<640x16xf32, #tpu.memory_space<hbm>>
      %dma_start3A_9 = arith.constant 0 : i32
      %dma_start3A_10 = tpu.memref_slice %arg12[%mul3A_0, %dma_start3A_9] : memref<10240x16xf32, #tpu.memory_space<vmem_shared>> -> memref<640x16xf32, #tpu.memory_space<vmem_shared>>
      tpu.enqueue_dma source(%dma_start3A_10 : memref<640x16xf32, #tpu.memory_space<vmem_shared>>) target(%dma_start3A_8 : memref<640x16xf32, #tpu.memory_space<hbm>>) target_semaphore(%run_scoped3A : memref<!tpu.dma_semaphore, #tpu.memory_space<semaphore_mem>>)
      %dma_wait3A = arith.constant 0 : i32
      %dma_wait3A_11 = tpu.memref_slice %arg7[%arg0, %mul3A_0, %dma_wait3A] : memref<2x10240x16xf32, #tpu.memory_space<hbm>> -> memref<1x640x16xf32, #tpu.memory_space<hbm>>
      %dma_wait3A_12 = tpu.memref_squeeze %dma_wait3A_11 : memref<1x640x16xf32, #tpu.memory_space<hbm>> -> memref<640x16xf32, #tpu.memory_space<hbm>>
      %dma_wait3A_13 = arith.constant 0 : i32
      %dma_wait3A_14 = tpu.memref_slice %arg12[%mul3A_0, %dma_wait3A_13] : memref<10240x16xf32, #tpu.memory_space<vmem_shared>> -> memref<640x16xf32, #tpu.memory_space<vmem_shared>>
      tpu.wait_dma2 semaphore(%run_scoped3A : memref<!tpu.dma_semaphore, #tpu.memory_space<semaphore_mem>>) src(%dma_wait3A_14 : memref<640x16xf32, #tpu.memory_space<vmem_shared>>) dst(%dma_wait3A_12 : memref<640x16xf32, #tpu.memory_space<hbm>>)
      tpu.yield
    }) : () -> ()
    return
  }
}

#map = affine_map<(d0, d1) -> (0, 0)>
#map1 = affine_map<(d0, d1) -> (0, 0, 0, 0)>
#map2 = affine_map<(d0, d1) -> (0, 0, 0)>
module attributes {stable_mosaic.version = 14 : i64} {
  func.func @_sc_agg_body(%arg0: i32, %arg1: i32, %arg2: memref<10240x128xf32, #tpu.memory_space<hbm>>, %arg3: memref<2x16x79x128xi32, #tpu.memory_space<hbm>>, %arg4: memref<2x16x79x128xi32, #tpu.memory_space<hbm>>, %arg5: memref<10240x128xf32, #tpu.memory_space<hbm>>, %arg6: memref<2x10240x128xf32, #tpu.memory_space<hbm>>, %arg7: memref<79x128xi32, #tpu.memory_space<vmem>>, %arg8: memref<79x128xi32, #tpu.memory_space<vmem>>, %arg9: memref<128x128xf32, #tpu.memory_space<vmem>>, %arg10: memref<10240x128xf32, #tpu.memory_space<vmem_shared>>, %arg11: memref<!tpu.dma_semaphore, #tpu.memory_space<semaphore_mem>>) attributes {dimension_semantics = [#tpu.dimension_semantics<core_parallel>, #tpu.dimension_semantics<subcore_parallel>], iteration_bounds = array<i64: 2, 16>, scalar_prefetch = 0 : i64, scratch_operands = 5 : i64, tpu.core_type = #tpu.core_type<sc_vector_subcore>, window_params = [{transform_indices = #map}, {transform_indices = #map1}, {transform_indices = #map1}, {transform_indices = #map}, {transform_indices = #map2}]} {
    %mul3A = arith.constant 640 : i32
    %mul3A_0 = arith.muli %arg1, %mul3A : i32
    "tpu.region"() ({
      %run_scoped3A = tpu.sem_alloc : memref<!tpu.dma_semaphore, #tpu.memory_space<semaphore_mem>>
      %dma_start3A = arith.constant 0 : i32
      %dma_start3A_7 = tpu.memref_slice %arg10[%mul3A_0, %dma_start3A] : memref<10240x128xf32, #tpu.memory_space<vmem_shared>> -> memref<640x128xf32, #tpu.memory_space<vmem_shared>>
      %dma_start3A_8 = arith.constant 0 : i32
      %dma_start3A_9 = tpu.memref_slice %arg5[%mul3A_0, %dma_start3A_8] : memref<10240x128xf32, #tpu.memory_space<hbm>> -> memref<640x128xf32, #tpu.memory_space<hbm>>
      tpu.enqueue_dma source(%dma_start3A_9 : memref<640x128xf32, #tpu.memory_space<hbm>>) target(%dma_start3A_7 : memref<640x128xf32, #tpu.memory_space<vmem_shared>>) target_semaphore(%run_scoped3A : memref<!tpu.dma_semaphore, #tpu.memory_space<semaphore_mem>>)
      %dma_wait3A = arith.constant 0 : i32
      %dma_wait3A_10 = tpu.memref_slice %arg10[%mul3A_0, %dma_wait3A] : memref<10240x128xf32, #tpu.memory_space<vmem_shared>> -> memref<640x128xf32, #tpu.memory_space<vmem_shared>>
      %dma_wait3A_11 = arith.constant 0 : i32
      %dma_wait3A_12 = tpu.memref_slice %arg5[%mul3A_0, %dma_wait3A_11] : memref<10240x128xf32, #tpu.memory_space<hbm>> -> memref<640x128xf32, #tpu.memory_space<hbm>>
      tpu.wait_dma2 semaphore(%run_scoped3A : memref<!tpu.dma_semaphore, #tpu.memory_space<semaphore_mem>>) src(%dma_wait3A_12 : memref<640x128xf32, #tpu.memory_space<hbm>>) dst(%dma_wait3A_10 : memref<640x128xf32, #tpu.memory_space<vmem_shared>>)
      tpu.yield
    }) : () -> ()
    "tpu.region"() ({
      %run_scoped3A = tpu.sem_alloc : memref<!tpu.dma_semaphore, #tpu.memory_space<semaphore_mem>>
      %dma_start3A = arith.constant 0 : i32
      %dma_start3A_7 = arith.constant 0 : i32
      %dma_start3A_8 = tpu.memref_slice %arg3[%arg0, %arg1, %dma_start3A, %dma_start3A_7] : memref<2x16x79x128xi32, #tpu.memory_space<hbm>> -> memref<1x1x79x128xi32, #tpu.memory_space<hbm>>
      %dma_start3A_9 = tpu.memref_squeeze %dma_start3A_8 : memref<1x1x79x128xi32, #tpu.memory_space<hbm>> -> memref<79x128xi32, #tpu.memory_space<hbm>>
      %dma_start3A_10 = arith.constant 0 : i32
      %dma_start3A_11 = arith.constant 0 : i32
      %dma_start3A_12 = tpu.memref_slice %arg3[%arg0, %arg1, %dma_start3A_10, %dma_start3A_11] : memref<2x16x79x128xi32, #tpu.memory_space<hbm>> -> memref<1x1x79x128xi32, #tpu.memory_space<hbm>>
      %dma_start3A_13 = tpu.memref_squeeze %dma_start3A_12 : memref<1x1x79x128xi32, #tpu.memory_space<hbm>> -> memref<79x128xi32, #tpu.memory_space<hbm>>
      tpu.enqueue_dma source(%dma_start3A_13 : memref<79x128xi32, #tpu.memory_space<hbm>>) target(%arg7 : memref<79x128xi32, #tpu.memory_space<vmem>>) target_semaphore(%run_scoped3A : memref<!tpu.dma_semaphore, #tpu.memory_space<semaphore_mem>>)
      %dma_wait3A = arith.constant 0 : i32
      %dma_wait3A_14 = arith.constant 0 : i32
      %dma_wait3A_15 = tpu.memref_slice %arg3[%arg0, %arg1, %dma_wait3A, %dma_wait3A_14] : memref<2x16x79x128xi32, #tpu.memory_space<hbm>> -> memref<1x1x79x128xi32, #tpu.memory_space<hbm>>
      %dma_wait3A_16 = tpu.memref_squeeze %dma_wait3A_15 : memref<1x1x79x128xi32, #tpu.memory_space<hbm>> -> memref<79x128xi32, #tpu.memory_space<hbm>>
      %dma_wait3A_17 = arith.constant 0 : i32
      %dma_wait3A_18 = arith.constant 0 : i32
      %dma_wait3A_19 = tpu.memref_slice %arg3[%arg0, %arg1, %dma_wait3A_17, %dma_wait3A_18] : memref<2x16x79x128xi32, #tpu.memory_space<hbm>> -> memref<1x1x79x128xi32, #tpu.memory_space<hbm>>
      %dma_wait3A_20 = tpu.memref_squeeze %dma_wait3A_19 : memref<1x1x79x128xi32, #tpu.memory_space<hbm>> -> memref<79x128xi32, #tpu.memory_space<hbm>>
      tpu.wait_dma2 semaphore(%run_scoped3A : memref<!tpu.dma_semaphore, #tpu.memory_space<semaphore_mem>>) src(%dma_wait3A_20 : memref<79x128xi32, #tpu.memory_space<hbm>>) dst(%arg7 : memref<79x128xi32, #tpu.memory_space<vmem>>)
      tpu.yield
    }) : () -> ()
    "tpu.region"() ({
      %run_scoped3A = tpu.sem_alloc : memref<!tpu.dma_semaphore, #tpu.memory_space<semaphore_mem>>
      %dma_start3A = arith.constant 0 : i32
      %dma_start3A_7 = arith.constant 0 : i32
      %dma_start3A_8 = tpu.memref_slice %arg4[%arg0, %arg1, %dma_start3A, %dma_start3A_7] : memref<2x16x79x128xi32, #tpu.memory_space<hbm>> -> memref<1x1x79x128xi32, #tpu.memory_space<hbm>>
      %dma_start3A_9 = tpu.memref_squeeze %dma_start3A_8 : memref<1x1x79x128xi32, #tpu.memory_space<hbm>> -> memref<79x128xi32, #tpu.memory_space<hbm>>
      %dma_start3A_10 = arith.constant 0 : i32
      %dma_start3A_11 = arith.constant 0 : i32
      %dma_start3A_12 = tpu.memref_slice %arg4[%arg0, %arg1, %dma_start3A_10, %dma_start3A_11] : memref<2x16x79x128xi32, #tpu.memory_space<hbm>> -> memref<1x1x79x128xi32, #tpu.memory_space<hbm>>
      %dma_start3A_13 = tpu.memref_squeeze %dma_start3A_12 : memref<1x1x79x128xi32, #tpu.memory_space<hbm>> -> memref<79x128xi32, #tpu.memory_space<hbm>>
      tpu.enqueue_dma source(%dma_start3A_13 : memref<79x128xi32, #tpu.memory_space<hbm>>) target(%arg8 : memref<79x128xi32, #tpu.memory_space<vmem>>) target_semaphore(%run_scoped3A : memref<!tpu.dma_semaphore, #tpu.memory_space<semaphore_mem>>)
      %dma_wait3A = arith.constant 0 : i32
      %dma_wait3A_14 = arith.constant 0 : i32
      %dma_wait3A_15 = tpu.memref_slice %arg4[%arg0, %arg1, %dma_wait3A, %dma_wait3A_14] : memref<2x16x79x128xi32, #tpu.memory_space<hbm>> -> memref<1x1x79x128xi32, #tpu.memory_space<hbm>>
      %dma_wait3A_16 = tpu.memref_squeeze %dma_wait3A_15 : memref<1x1x79x128xi32, #tpu.memory_space<hbm>> -> memref<79x128xi32, #tpu.memory_space<hbm>>
      %dma_wait3A_17 = arith.constant 0 : i32
      %dma_wait3A_18 = arith.constant 0 : i32
      %dma_wait3A_19 = tpu.memref_slice %arg4[%arg0, %arg1, %dma_wait3A_17, %dma_wait3A_18] : memref<2x16x79x128xi32, #tpu.memory_space<hbm>> -> memref<1x1x79x128xi32, #tpu.memory_space<hbm>>
      %dma_wait3A_20 = tpu.memref_squeeze %dma_wait3A_19 : memref<1x1x79x128xi32, #tpu.memory_space<hbm>> -> memref<79x128xi32, #tpu.memory_space<hbm>>
      tpu.wait_dma2 semaphore(%run_scoped3A : memref<!tpu.dma_semaphore, #tpu.memory_space<semaphore_mem>>) src(%dma_wait3A_20 : memref<79x128xi32, #tpu.memory_space<hbm>>) dst(%arg8 : memref<79x128xi32, #tpu.memory_space<vmem>>)
      tpu.yield
    }) : () -> ()
    %barrier3A = arith.constant 0 : index
    tpu.barrier barrier_id(%barrier3A)
    %scan3A = arith.constant 0 : i32
    %scan3A_1 = arith.constant 0 : i32
    %scan3A_2 = arith.constant 79 : i32
    %scan3A_3 = arith.addi %scan3A_1, %scan3A_2 : i32
    %scan3A_4 = arith.constant 1 : i32
    scf.for %scan3A_7 = %scan3A_1 to %scan3A_3 step %scan3A_4  : i32 {
      %dma_start3A = arith.constant 0 : i32
      %dma_start3A_8 = tpu.memref_slice %arg7[%scan3A_7, %dma_start3A] : memref<79x128xi32, #tpu.memory_space<vmem>> -> memref<1x128xi32, #tpu.memory_space<vmem>>
      %dma_start3A_9 = tpu.memref_squeeze %dma_start3A_8 : memref<1x128xi32, #tpu.memory_space<vmem>> -> memref<128xi32, #tpu.memory_space<vmem>>
      %dma_start3A_10 = arith.constant 0 : i32
      %dma_start3A_11 = arith.constant 0 : i32
      %dma_start3A_12 = tpu.memref_slice %arg2[%dma_start3A_10, %dma_start3A_11] : memref<10240x128xf32, #tpu.memory_space<hbm>> -> memref<10240x128xf32, #tpu.memory_space<hbm>>
      tpu.enqueue_indirect_dma source(%dma_start3A_12 : memref<10240x128xf32, #tpu.memory_space<hbm>>) target(%arg9 : memref<128x128xf32, #tpu.memory_space<vmem>>) offsets(%dma_start3A_9 : memref<128xi32, #tpu.memory_space<vmem>>) semaphore(%arg11 : memref<!tpu.dma_semaphore, #tpu.memory_space<semaphore_mem>>)
      %dma_wait3A = arith.constant 0 : i32
      %dma_wait3A_13 = tpu.memref_slice %arg7[%scan3A_7, %dma_wait3A] : memref<79x128xi32, #tpu.memory_space<vmem>> -> memref<1x128xi32, #tpu.memory_space<vmem>>
      %dma_wait3A_14 = tpu.memref_squeeze %dma_wait3A_13 : memref<1x128xi32, #tpu.memory_space<vmem>> -> memref<128xi32, #tpu.memory_space<vmem>>
      %dma_wait3A_15 = arith.constant 0 : i32
      %dma_wait3A_16 = arith.constant 0 : i32
      %dma_wait3A_17 = tpu.memref_slice %arg2[%dma_wait3A_15, %dma_wait3A_16] : memref<10240x128xf32, #tpu.memory_space<hbm>> -> memref<10240x128xf32, #tpu.memory_space<hbm>>
      tpu.wait_indirect_dma semaphore(%arg11 : memref<!tpu.dma_semaphore, #tpu.memory_space<semaphore_mem>>) src(%dma_wait3A_17 : memref<10240x128xf32, #tpu.memory_space<hbm>>) dst(%arg9 : memref<128x128xf32, #tpu.memory_space<vmem>>)
      "tpu.region"() ({
        %run_scoped3A = tpu.sem_alloc : memref<!tpu.dma_semaphore, #tpu.memory_space<semaphore_mem>>
        %dma_start3A_18 = arith.constant 0 : i32
        %dma_start3A_19 = tpu.memref_slice %arg8[%scan3A_7, %dma_start3A_18] : memref<79x128xi32, #tpu.memory_space<vmem>> -> memref<1x128xi32, #tpu.memory_space<vmem>>
        %dma_start3A_20 = tpu.memref_squeeze %dma_start3A_19 : memref<1x128xi32, #tpu.memory_space<vmem>> -> memref<128xi32, #tpu.memory_space<vmem>>
        %dma_start3A_21 = arith.constant 0 : i32
        %dma_start3A_22 = arith.constant 0 : i32
        %dma_start3A_23 = tpu.memref_slice %arg10[%dma_start3A_21, %dma_start3A_22] : memref<10240x128xf32, #tpu.memory_space<vmem_shared>> -> memref<10240x128xf32, #tpu.memory_space<vmem_shared>>
        tpu.enqueue_indirect_dma source(%arg9 : memref<128x128xf32, #tpu.memory_space<vmem>>) target(%dma_start3A_23 : memref<10240x128xf32, #tpu.memory_space<vmem_shared>>) offsets(%dma_start3A_20 : memref<128xi32, #tpu.memory_space<vmem>>) semaphore(%run_scoped3A : memref<!tpu.dma_semaphore, #tpu.memory_space<semaphore_mem>>) {add = true}
        %dma_wait3A_24 = arith.constant 0 : i32
        %dma_wait3A_25 = tpu.memref_slice %arg8[%scan3A_7, %dma_wait3A_24] : memref<79x128xi32, #tpu.memory_space<vmem>> -> memref<1x128xi32, #tpu.memory_space<vmem>>
        %dma_wait3A_26 = tpu.memref_squeeze %dma_wait3A_25 : memref<1x128xi32, #tpu.memory_space<vmem>> -> memref<128xi32, #tpu.memory_space<vmem>>
        %dma_wait3A_27 = arith.constant 0 : i32
        %dma_wait3A_28 = arith.constant 0 : i32
        %dma_wait3A_29 = tpu.memref_slice %arg10[%dma_wait3A_27, %dma_wait3A_28] : memref<10240x128xf32, #tpu.memory_space<vmem_shared>> -> memref<10240x128xf32, #tpu.memory_space<vmem_shared>>
        tpu.wait_indirect_dma semaphore(%run_scoped3A : memref<!tpu.dma_semaphore, #tpu.memory_space<semaphore_mem>>) src(%arg9 : memref<128x128xf32, #tpu.memory_space<vmem>>) dst(%dma_wait3A_29 : memref<10240x128xf32, #tpu.memory_space<vmem_shared>>)
        tpu.yield
      }) : () -> ()
    }
    %scan3A_5 = arith.constant 79 : i32
    %barrier3A_6 = arith.constant 0 : index
    tpu.barrier barrier_id(%barrier3A_6)
    "tpu.region"() ({
      %run_scoped3A = tpu.sem_alloc : memref<!tpu.dma_semaphore, #tpu.memory_space<semaphore_mem>>
      %dma_start3A = arith.constant 0 : i32
      %dma_start3A_7 = tpu.memref_slice %arg6[%arg0, %mul3A_0, %dma_start3A] : memref<2x10240x128xf32, #tpu.memory_space<hbm>> -> memref<1x640x128xf32, #tpu.memory_space<hbm>>
      %dma_start3A_8 = tpu.memref_squeeze %dma_start3A_7 : memref<1x640x128xf32, #tpu.memory_space<hbm>> -> memref<640x128xf32, #tpu.memory_space<hbm>>
      %dma_start3A_9 = arith.constant 0 : i32
      %dma_start3A_10 = tpu.memref_slice %arg10[%mul3A_0, %dma_start3A_9] : memref<10240x128xf32, #tpu.memory_space<vmem_shared>> -> memref<640x128xf32, #tpu.memory_space<vmem_shared>>
      tpu.enqueue_dma source(%dma_start3A_10 : memref<640x128xf32, #tpu.memory_space<vmem_shared>>) target(%dma_start3A_8 : memref<640x128xf32, #tpu.memory_space<hbm>>) target_semaphore(%run_scoped3A : memref<!tpu.dma_semaphore, #tpu.memory_space<semaphore_mem>>)
      %dma_wait3A = arith.constant 0 : i32
      %dma_wait3A_11 = tpu.memref_slice %arg6[%arg0, %mul3A_0, %dma_wait3A] : memref<2x10240x128xf32, #tpu.memory_space<hbm>> -> memref<1x640x128xf32, #tpu.memory_space<hbm>>
      %dma_wait3A_12 = tpu.memref_squeeze %dma_wait3A_11 : memref<1x640x128xf32, #tpu.memory_space<hbm>> -> memref<640x128xf32, #tpu.memory_space<hbm>>
      %dma_wait3A_13 = arith.constant 0 : i32
      %dma_wait3A_14 = tpu.memref_slice %arg10[%mul3A_0, %dma_wait3A_13] : memref<10240x128xf32, #tpu.memory_space<vmem_shared>> -> memref<640x128xf32, #tpu.memory_space<vmem_shared>>
      tpu.wait_dma2 semaphore(%run_scoped3A : memref<!tpu.dma_semaphore, #tpu.memory_space<semaphore_mem>>) src(%dma_wait3A_14 : memref<640x128xf32, #tpu.memory_space<vmem_shared>>) dst(%dma_wait3A_12 : memref<640x128xf32, #tpu.memory_space<hbm>>)
      tpu.yield
    }) : () -> ()
    return
  }
}

#map = affine_map<(d0, d1) -> (0, 0)>
#map1 = affine_map<(d0, d1) -> (0, 0, 0, 0)>
#map2 = affine_map<(d0, d1) -> (0, 0, 0)>
module attributes {stable_mosaic.version = 14 : i64} {
  func.func @_sc_agg_body(%arg0: i32, %arg1: i32, %arg2: memref<10240x128xf32, #tpu.memory_space<hbm>>, %arg3: memref<2x16x79x128xi32, #tpu.memory_space<hbm>>, %arg4: memref<2x16x79x128xi32, #tpu.memory_space<hbm>>, %arg5: memref<10240x128xf32, #tpu.memory_space<hbm>>, %arg6: memref<2x10240x128xf32, #tpu.memory_space<hbm>>, %arg7: memref<79x128xi32, #tpu.memory_space<vmem>>, %arg8: memref<79x128xi32, #tpu.memory_space<vmem>>, %arg9: memref<128x128xf32, #tpu.memory_space<vmem>>, %arg10: memref<10240x128xf32, #tpu.memory_space<vmem_shared>>, %arg11: memref<!tpu.dma_semaphore, #tpu.memory_space<semaphore_mem>>) attributes {dimension_semantics = [#tpu.dimension_semantics<core_parallel>, #tpu.dimension_semantics<subcore_parallel>], iteration_bounds = array<i64: 2, 16>, scalar_prefetch = 0 : i64, scratch_operands = 5 : i64, tpu.core_type = #tpu.core_type<sc_vector_subcore>, window_params = [{transform_indices = #map}, {transform_indices = #map1}, {transform_indices = #map1}, {transform_indices = #map}, {transform_indices = #map2}]} {
    %mul3A = arith.constant 640 : i32
    %mul3A_0 = arith.muli %arg1, %mul3A : i32
    "tpu.region"() ({
      %run_scoped3A = tpu.sem_alloc : memref<!tpu.dma_semaphore, #tpu.memory_space<semaphore_mem>>
      %dma_start3A = arith.constant 0 : i32
      %dma_start3A_7 = tpu.memref_slice %arg10[%mul3A_0, %dma_start3A] : memref<10240x128xf32, #tpu.memory_space<vmem_shared>> -> memref<640x128xf32, #tpu.memory_space<vmem_shared>>
      %dma_start3A_8 = arith.constant 0 : i32
      %dma_start3A_9 = tpu.memref_slice %arg5[%mul3A_0, %dma_start3A_8] : memref<10240x128xf32, #tpu.memory_space<hbm>> -> memref<640x128xf32, #tpu.memory_space<hbm>>
      tpu.enqueue_dma source(%dma_start3A_9 : memref<640x128xf32, #tpu.memory_space<hbm>>) target(%dma_start3A_7 : memref<640x128xf32, #tpu.memory_space<vmem_shared>>) target_semaphore(%run_scoped3A : memref<!tpu.dma_semaphore, #tpu.memory_space<semaphore_mem>>)
      %dma_wait3A = arith.constant 0 : i32
      %dma_wait3A_10 = tpu.memref_slice %arg10[%mul3A_0, %dma_wait3A] : memref<10240x128xf32, #tpu.memory_space<vmem_shared>> -> memref<640x128xf32, #tpu.memory_space<vmem_shared>>
      %dma_wait3A_11 = arith.constant 0 : i32
      %dma_wait3A_12 = tpu.memref_slice %arg5[%mul3A_0, %dma_wait3A_11] : memref<10240x128xf32, #tpu.memory_space<hbm>> -> memref<640x128xf32, #tpu.memory_space<hbm>>
      tpu.wait_dma2 semaphore(%run_scoped3A : memref<!tpu.dma_semaphore, #tpu.memory_space<semaphore_mem>>) src(%dma_wait3A_12 : memref<640x128xf32, #tpu.memory_space<hbm>>) dst(%dma_wait3A_10 : memref<640x128xf32, #tpu.memory_space<vmem_shared>>)
      tpu.yield
    }) : () -> ()
    "tpu.region"() ({
      %run_scoped3A = tpu.sem_alloc : memref<!tpu.dma_semaphore, #tpu.memory_space<semaphore_mem>>
      %dma_start3A = arith.constant 0 : i32
      %dma_start3A_7 = arith.constant 0 : i32
      %dma_start3A_8 = tpu.memref_slice %arg3[%arg0, %arg1, %dma_start3A, %dma_start3A_7] : memref<2x16x79x128xi32, #tpu.memory_space<hbm>> -> memref<1x1x79x128xi32, #tpu.memory_space<hbm>>
      %dma_start3A_9 = tpu.memref_squeeze %dma_start3A_8 : memref<1x1x79x128xi32, #tpu.memory_space<hbm>> -> memref<79x128xi32, #tpu.memory_space<hbm>>
      %dma_start3A_10 = arith.constant 0 : i32
      %dma_start3A_11 = arith.constant 0 : i32
      %dma_start3A_12 = tpu.memref_slice %arg3[%arg0, %arg1, %dma_start3A_10, %dma_start3A_11] : memref<2x16x79x128xi32, #tpu.memory_space<hbm>> -> memref<1x1x79x128xi32, #tpu.memory_space<hbm>>
      %dma_start3A_13 = tpu.memref_squeeze %dma_start3A_12 : memref<1x1x79x128xi32, #tpu.memory_space<hbm>> -> memref<79x128xi32, #tpu.memory_space<hbm>>
      tpu.enqueue_dma source(%dma_start3A_13 : memref<79x128xi32, #tpu.memory_space<hbm>>) target(%arg7 : memref<79x128xi32, #tpu.memory_space<vmem>>) target_semaphore(%run_scoped3A : memref<!tpu.dma_semaphore, #tpu.memory_space<semaphore_mem>>)
      %dma_wait3A = arith.constant 0 : i32
      %dma_wait3A_14 = arith.constant 0 : i32
      %dma_wait3A_15 = tpu.memref_slice %arg3[%arg0, %arg1, %dma_wait3A, %dma_wait3A_14] : memref<2x16x79x128xi32, #tpu.memory_space<hbm>> -> memref<1x1x79x128xi32, #tpu.memory_space<hbm>>
      %dma_wait3A_16 = tpu.memref_squeeze %dma_wait3A_15 : memref<1x1x79x128xi32, #tpu.memory_space<hbm>> -> memref<79x128xi32, #tpu.memory_space<hbm>>
      %dma_wait3A_17 = arith.constant 0 : i32
      %dma_wait3A_18 = arith.constant 0 : i32
      %dma_wait3A_19 = tpu.memref_slice %arg3[%arg0, %arg1, %dma_wait3A_17, %dma_wait3A_18] : memref<2x16x79x128xi32, #tpu.memory_space<hbm>> -> memref<1x1x79x128xi32, #tpu.memory_space<hbm>>
      %dma_wait3A_20 = tpu.memref_squeeze %dma_wait3A_19 : memref<1x1x79x128xi32, #tpu.memory_space<hbm>> -> memref<79x128xi32, #tpu.memory_space<hbm>>
      tpu.wait_dma2 semaphore(%run_scoped3A : memref<!tpu.dma_semaphore, #tpu.memory_space<semaphore_mem>>) src(%dma_wait3A_20 : memref<79x128xi32, #tpu.memory_space<hbm>>) dst(%arg7 : memref<79x128xi32, #tpu.memory_space<vmem>>)
      tpu.yield
    }) : () -> ()
    "tpu.region"() ({
      %run_scoped3A = tpu.sem_alloc : memref<!tpu.dma_semaphore, #tpu.memory_space<semaphore_mem>>
      %dma_start3A = arith.constant 0 : i32
      %dma_start3A_7 = arith.constant 0 : i32
      %dma_start3A_8 = tpu.memref_slice %arg4[%arg0, %arg1, %dma_start3A, %dma_start3A_7] : memref<2x16x79x128xi32, #tpu.memory_space<hbm>> -> memref<1x1x79x128xi32, #tpu.memory_space<hbm>>
      %dma_start3A_9 = tpu.memref_squeeze %dma_start3A_8 : memref<1x1x79x128xi32, #tpu.memory_space<hbm>> -> memref<79x128xi32, #tpu.memory_space<hbm>>
      %dma_start3A_10 = arith.constant 0 : i32
      %dma_start3A_11 = arith.constant 0 : i32
      %dma_start3A_12 = tpu.memref_slice %arg4[%arg0, %arg1, %dma_start3A_10, %dma_start3A_11] : memref<2x16x79x128xi32, #tpu.memory_space<hbm>> -> memref<1x1x79x128xi32, #tpu.memory_space<hbm>>
      %dma_start3A_13 = tpu.memref_squeeze %dma_start3A_12 : memref<1x1x79x128xi32, #tpu.memory_space<hbm>> -> memref<79x128xi32, #tpu.memory_space<hbm>>
      tpu.enqueue_dma source(%dma_start3A_13 : memref<79x128xi32, #tpu.memory_space<hbm>>) target(%arg8 : memref<79x128xi32, #tpu.memory_space<vmem>>) target_semaphore(%run_scoped3A : memref<!tpu.dma_semaphore, #tpu.memory_space<semaphore_mem>>)
      %dma_wait3A = arith.constant 0 : i32
      %dma_wait3A_14 = arith.constant 0 : i32
      %dma_wait3A_15 = tpu.memref_slice %arg4[%arg0, %arg1, %dma_wait3A, %dma_wait3A_14] : memref<2x16x79x128xi32, #tpu.memory_space<hbm>> -> memref<1x1x79x128xi32, #tpu.memory_space<hbm>>
      %dma_wait3A_16 = tpu.memref_squeeze %dma_wait3A_15 : memref<1x1x79x128xi32, #tpu.memory_space<hbm>> -> memref<79x128xi32, #tpu.memory_space<hbm>>
      %dma_wait3A_17 = arith.constant 0 : i32
      %dma_wait3A_18 = arith.constant 0 : i32
      %dma_wait3A_19 = tpu.memref_slice %arg4[%arg0, %arg1, %dma_wait3A_17, %dma_wait3A_18] : memref<2x16x79x128xi32, #tpu.memory_space<hbm>> -> memref<1x1x79x128xi32, #tpu.memory_space<hbm>>
      %dma_wait3A_20 = tpu.memref_squeeze %dma_wait3A_19 : memref<1x1x79x128xi32, #tpu.memory_space<hbm>> -> memref<79x128xi32, #tpu.memory_space<hbm>>
      tpu.wait_dma2 semaphore(%run_scoped3A : memref<!tpu.dma_semaphore, #tpu.memory_space<semaphore_mem>>) src(%dma_wait3A_20 : memref<79x128xi32, #tpu.memory_space<hbm>>) dst(%arg8 : memref<79x128xi32, #tpu.memory_space<vmem>>)
      tpu.yield
    }) : () -> ()
    %barrier3A = arith.constant 0 : index
    tpu.barrier barrier_id(%barrier3A)
    %scan3A = arith.constant 0 : i32
    %scan3A_1 = arith.constant 0 : i32
    %scan3A_2 = arith.constant 79 : i32
    %scan3A_3 = arith.addi %scan3A_1, %scan3A_2 : i32
    %scan3A_4 = arith.constant 1 : i32
    scf.for %scan3A_7 = %scan3A_1 to %scan3A_3 step %scan3A_4  : i32 {
      %dma_start3A = arith.constant 0 : i32
      %dma_start3A_8 = tpu.memref_slice %arg7[%scan3A_7, %dma_start3A] : memref<79x128xi32, #tpu.memory_space<vmem>> -> memref<1x128xi32, #tpu.memory_space<vmem>>
      %dma_start3A_9 = tpu.memref_squeeze %dma_start3A_8 : memref<1x128xi32, #tpu.memory_space<vmem>> -> memref<128xi32, #tpu.memory_space<vmem>>
      %dma_start3A_10 = arith.constant 0 : i32
      %dma_start3A_11 = arith.constant 0 : i32
      %dma_start3A_12 = tpu.memref_slice %arg2[%dma_start3A_10, %dma_start3A_11] : memref<10240x128xf32, #tpu.memory_space<hbm>> -> memref<10240x128xf32, #tpu.memory_space<hbm>>
      tpu.enqueue_indirect_dma source(%dma_start3A_12 : memref<10240x128xf32, #tpu.memory_space<hbm>>) target(%arg9 : memref<128x128xf32, #tpu.memory_space<vmem>>) offsets(%dma_start3A_9 : memref<128xi32, #tpu.memory_space<vmem>>) semaphore(%arg11 : memref<!tpu.dma_semaphore, #tpu.memory_space<semaphore_mem>>)
      %dma_wait3A = arith.constant 0 : i32
      %dma_wait3A_13 = tpu.memref_slice %arg7[%scan3A_7, %dma_wait3A] : memref<79x128xi32, #tpu.memory_space<vmem>> -> memref<1x128xi32, #tpu.memory_space<vmem>>
      %dma_wait3A_14 = tpu.memref_squeeze %dma_wait3A_13 : memref<1x128xi32, #tpu.memory_space<vmem>> -> memref<128xi32, #tpu.memory_space<vmem>>
      %dma_wait3A_15 = arith.constant 0 : i32
      %dma_wait3A_16 = arith.constant 0 : i32
      %dma_wait3A_17 = tpu.memref_slice %arg2[%dma_wait3A_15, %dma_wait3A_16] : memref<10240x128xf32, #tpu.memory_space<hbm>> -> memref<10240x128xf32, #tpu.memory_space<hbm>>
      tpu.wait_indirect_dma semaphore(%arg11 : memref<!tpu.dma_semaphore, #tpu.memory_space<semaphore_mem>>) src(%dma_wait3A_17 : memref<10240x128xf32, #tpu.memory_space<hbm>>) dst(%arg9 : memref<128x128xf32, #tpu.memory_space<vmem>>)
      "tpu.region"() ({
        %run_scoped3A = tpu.sem_alloc : memref<!tpu.dma_semaphore, #tpu.memory_space<semaphore_mem>>
        %dma_start3A_18 = arith.constant 0 : i32
        %dma_start3A_19 = tpu.memref_slice %arg8[%scan3A_7, %dma_start3A_18] : memref<79x128xi32, #tpu.memory_space<vmem>> -> memref<1x128xi32, #tpu.memory_space<vmem>>
        %dma_start3A_20 = tpu.memref_squeeze %dma_start3A_19 : memref<1x128xi32, #tpu.memory_space<vmem>> -> memref<128xi32, #tpu.memory_space<vmem>>
        %dma_start3A_21 = arith.constant 0 : i32
        %dma_start3A_22 = arith.constant 0 : i32
        %dma_start3A_23 = tpu.memref_slice %arg10[%dma_start3A_21, %dma_start3A_22] : memref<10240x128xf32, #tpu.memory_space<vmem_shared>> -> memref<10240x128xf32, #tpu.memory_space<vmem_shared>>
        tpu.enqueue_indirect_dma source(%arg9 : memref<128x128xf32, #tpu.memory_space<vmem>>) target(%dma_start3A_23 : memref<10240x128xf32, #tpu.memory_space<vmem_shared>>) offsets(%dma_start3A_20 : memref<128xi32, #tpu.memory_space<vmem>>) semaphore(%run_scoped3A : memref<!tpu.dma_semaphore, #tpu.memory_space<semaphore_mem>>) {add = true}
        %dma_wait3A_24 = arith.constant 0 : i32
        %dma_wait3A_25 = tpu.memref_slice %arg8[%scan3A_7, %dma_wait3A_24] : memref<79x128xi32, #tpu.memory_space<vmem>> -> memref<1x128xi32, #tpu.memory_space<vmem>>
        %dma_wait3A_26 = tpu.memref_squeeze %dma_wait3A_25 : memref<1x128xi32, #tpu.memory_space<vmem>> -> memref<128xi32, #tpu.memory_space<vmem>>
        %dma_wait3A_27 = arith.constant 0 : i32
        %dma_wait3A_28 = arith.constant 0 : i32
        %dma_wait3A_29 = tpu.memref_slice %arg10[%dma_wait3A_27, %dma_wait3A_28] : memref<10240x128xf32, #tpu.memory_space<vmem_shared>> -> memref<10240x128xf32, #tpu.memory_space<vmem_shared>>
        tpu.wait_indirect_dma semaphore(%run_scoped3A : memref<!tpu.dma_semaphore, #tpu.memory_space<semaphore_mem>>) src(%arg9 : memref<128x128xf32, #tpu.memory_space<vmem>>) dst(%dma_wait3A_29 : memref<10240x128xf32, #tpu.memory_space<vmem_shared>>)
        tpu.yield
      }) : () -> ()
    }
    %scan3A_5 = arith.constant 79 : i32
    %barrier3A_6 = arith.constant 0 : index
    tpu.barrier barrier_id(%barrier3A_6)
    "tpu.region"() ({
      %run_scoped3A = tpu.sem_alloc : memref<!tpu.dma_semaphore, #tpu.memory_space<semaphore_mem>>
      %dma_start3A = arith.constant 0 : i32
      %dma_start3A_7 = tpu.memref_slice %arg6[%arg0, %mul3A_0, %dma_start3A] : memref<2x10240x128xf32, #tpu.memory_space<hbm>> -> memref<1x640x128xf32, #tpu.memory_space<hbm>>
      %dma_start3A_8 = tpu.memref_squeeze %dma_start3A_7 : memref<1x640x128xf32, #tpu.memory_space<hbm>> -> memref<640x128xf32, #tpu.memory_space<hbm>>
      %dma_start3A_9 = arith.constant 0 : i32
      %dma_start3A_10 = tpu.memref_slice %arg10[%mul3A_0, %dma_start3A_9] : memref<10240x128xf32, #tpu.memory_space<vmem_shared>> -> memref<640x128xf32, #tpu.memory_space<vmem_shared>>
      tpu.enqueue_dma source(%dma_start3A_10 : memref<640x128xf32, #tpu.memory_space<vmem_shared>>) target(%dma_start3A_8 : memref<640x128xf32, #tpu.memory_space<hbm>>) target_semaphore(%run_scoped3A : memref<!tpu.dma_semaphore, #tpu.memory_space<semaphore_mem>>)
      %dma_wait3A = arith.constant 0 : i32
      %dma_wait3A_11 = tpu.memref_slice %arg6[%arg0, %mul3A_0, %dma_wait3A] : memref<2x10240x128xf32, #tpu.memory_space<hbm>> -> memref<1x640x128xf32, #tpu.memory_space<hbm>>
      %dma_wait3A_12 = tpu.memref_squeeze %dma_wait3A_11 : memref<1x640x128xf32, #tpu.memory_space<hbm>> -> memref<640x128xf32, #tpu.memory_space<hbm>>
      %dma_wait3A_13 = arith.constant 0 : i32
      %dma_wait3A_14 = tpu.memref_slice %arg10[%mul3A_0, %dma_wait3A_13] : memref<10240x128xf32, #tpu.memory_space<vmem_shared>> -> memref<640x128xf32, #tpu.memory_space<vmem_shared>>
      tpu.wait_dma2 semaphore(%run_scoped3A : memref<!tpu.dma_semaphore, #tpu.memory_space<semaphore_mem>>) src(%dma_wait3A_14 : memref<640x128xf32, #tpu.memory_space<vmem_shared>>) dst(%dma_wait3A_12 : memref<640x128xf32, #tpu.memory_space<hbm>>)
      tpu.yield
    }) : () -> ()
    return
  }
}

module attributes {stable_mosaic.version = 14 : i64} {
  func.func @_tc_layer_body(%arg0: i32, %arg1: memref<1024x128xf32, #tpu.memory_space<vmem>>, %arg2: memref<1024x128xf32, #tpu.memory_space<vmem>>, %arg3: memref<1024x128xf32, #tpu.memory_space<vmem>>, %arg4: memref<1024x16xf32, #tpu.memory_space<vmem>>, %arg5: memref<1024x16xf32, #tpu.memory_space<vmem>>, %arg6: memref<128x128xf32, #tpu.memory_space<vmem>>, %arg7: memref<128x128xf32, #tpu.memory_space<vmem>>, %arg8: memref<1x128xf32, #tpu.memory_space<vmem>>, %arg9: memref<1024x128xf32, #tpu.memory_space<vmem>>) attributes {dimension_semantics = [#tpu.dimension_semantics<arbitrary>], iteration_bounds = array<i64: 10>, scalar_prefetch = 0 : i64, scratch_operands = 0 : i64, tpu.core_type = #tpu.core_type<tc>, window_params = [{transform_indices = @transform_0, window_bounds = array<i64: 1024, 128>}, {transform_indices = @transform_1, window_bounds = array<i64: 1024, 128>}, {transform_indices = @transform_2, window_bounds = array<i64: 1024, 128>}, {transform_indices = @transform_3, window_bounds = array<i64: 1024, 16>}, {transform_indices = @transform_4, window_bounds = array<i64: 1024, 16>}, {pipeline_mode = #tpu.pipeline_mode<synchronous>, transform_indices = @transform_5, window_bounds = array<i64: 128, 128>}, {pipeline_mode = #tpu.pipeline_mode<synchronous>, transform_indices = @transform_6, window_bounds = array<i64: 128, 128>}, {pipeline_mode = #tpu.pipeline_mode<synchronous>, transform_indices = @transform_7, window_bounds = array<i64: 1, 128>}, {transform_indices = @transform_8, window_bounds = array<i64: 1024, 128>}]} {
    %get3A = arith.constant 0 : index
    %get3A_0 = arith.constant 0 : index
    %get3A_1 = vector.load %arg4[%get3A, %get3A_0] : memref<1024x16xf32, #tpu.memory_space<vmem>>, vector<1024x16xf32>
    %get3A_2 = arith.constant 0 : index
    %get3A_3 = arith.constant 0 : index
    %get3A_4 = vector.load %arg5[%get3A_2, %get3A_3] : memref<1024x16xf32, #tpu.memory_space<vmem>>, vector<1024x16xf32>
    %add3A = arith.addf %get3A_1, %get3A_4 : vector<1024x16xf32>
    %reduce_sum3A = arith.constant dense<0.000000e+00> : vector<1024xf32>
    %reduce_sum3A_5 = vector.multi_reduction <add>, %add3A, %reduce_sum3A [1] : vector<1024x16xf32> to vector<1024xf32>
    %broadcast_in_dim3A = vector.shape_cast %reduce_sum3A_5 : vector<1024xf32> to vector<1024x1xf32>
    %mul3A = arith.constant 6.250000e-02 : f32
    %mul3A_6 = vector.broadcast %mul3A : f32 to vector<1024x1xf32>
    %mul3A_7 = arith.mulf %broadcast_in_dim3A, %mul3A_6 : vector<1024x1xf32>
    %max3A = arith.constant 1.000000e+00 : f32
    %max3A_8 = vector.broadcast %max3A : f32 to vector<1024x1xf32>
    %max3A_9 = arith.maximumf %mul3A_7, %max3A_8 : vector<1024x1xf32>
    %get3A_10 = arith.constant 0 : index
    %get3A_11 = arith.constant 0 : index
    %get3A_12 = vector.load %arg2[%get3A_10, %get3A_11] : memref<1024x128xf32, #tpu.memory_space<vmem>>, vector<1024x128xf32>
    %get3A_13 = arith.constant 0 : index
    %get3A_14 = arith.constant 0 : index
    %get3A_15 = vector.load %arg3[%get3A_13, %get3A_14] : memref<1024x128xf32, #tpu.memory_space<vmem>>, vector<1024x128xf32>
    %add3A_16 = arith.addf %get3A_12, %get3A_15 : vector<1024x128xf32>
    %div3A = vector.broadcast %max3A_9 : vector<1024x1xf32> to vector<1024x128xf32>
    %div3A_17 = arith.divf %add3A_16, %div3A : vector<1024x128xf32>
    %get3A_18 = arith.constant 0 : index
    %get3A_19 = arith.constant 0 : index
    %get3A_20 = vector.load %arg1[%get3A_18, %get3A_19] : memref<1024x128xf32, #tpu.memory_space<vmem>>, vector<1024x128xf32>
    %get3A_21 = arith.constant 0 : index
    %get3A_22 = arith.constant 0 : index
    %get3A_23 = vector.load %arg6[%get3A_21, %get3A_22] : memref<128x128xf32, #tpu.memory_space<vmem>>, vector<128x128xf32>
    %dot_general3A = arith.constant dense<0.000000e+00> : vector<1024x128xf32>
    %dot_general3A_24 = tpu.matmul %get3A_20, %get3A_23, %dot_general3A {dimension_numbers = #tpu.dot_dimension_numbers<[1], [0], [0], [1], [0, 0, 1, 1], [], []>, transpose_lhs_hint = false} : vector<1024x128xf32>, vector<128x128xf32>, vector<1024x128xf32> -> vector<1024x128xf32>
    %get3A_25 = arith.constant 0 : index
    %get3A_26 = arith.constant 0 : index
    %get3A_27 = vector.load %arg7[%get3A_25, %get3A_26] : memref<128x128xf32, #tpu.memory_space<vmem>>, vector<128x128xf32>
    %dot_general3A_28 = arith.constant dense<0.000000e+00> : vector<1024x128xf32>
    %dot_general3A_29 = tpu.matmul %div3A_17, %get3A_27, %dot_general3A_28 {dimension_numbers = #tpu.dot_dimension_numbers<[1], [0], [0], [1], [0, 0, 1, 1], [], []>, transpose_lhs_hint = false} : vector<1024x128xf32>, vector<128x128xf32>, vector<1024x128xf32> -> vector<1024x128xf32>
    %add3A_30 = arith.addf %dot_general3A_24, %dot_general3A_29 : vector<1024x128xf32>
    %get3A_31 = arith.constant 0 : index
    %get3A_32 = arith.constant 0 : index
    %get3A_33 = vector.load %arg8[%get3A_31, %get3A_32] : memref<1x128xf32, #tpu.memory_space<vmem>>, vector<1x128xf32>
    %add3A_34 = vector.broadcast %get3A_33 : vector<1x128xf32> to vector<1024x128xf32>
    %add3A_35 = arith.addf %add3A_30, %add3A_34 : vector<1024x128xf32>
    %max3A_36 = arith.constant 0.000000e+00 : f32
    %max3A_37 = vector.broadcast %max3A_36 : f32 to vector<1024x128xf32>
    %max3A_38 = arith.maximumf %add3A_35, %max3A_37 : vector<1024x128xf32>
    %swap3A = arith.constant 0 : index
    %swap3A_39 = arith.constant 0 : index
    %swap3A_40 = vector.load %arg9[%swap3A, %swap3A_39] : memref<1024x128xf32, #tpu.memory_space<vmem>>, vector<1024x128xf32>
    tpu.vector_store %arg9[%swap3A, %swap3A_39], %max3A_38 {strides = array<i32>} : memref<1024x128xf32, #tpu.memory_space<vmem>>, vector<1024x128xf32>,
    return
  }
  func.func @transform_0(%arg0: i32) -> (i32, i32) {
    %c0_i32 = arith.constant 0 : i32
    %c0_i32_0 = arith.constant 0 : i32
    return %arg0, %c0_i32 : i32, i32
  }
  func.func @transform_1(%arg0: i32) -> (i32, i32) {
    %c0_i32 = arith.constant 0 : i32
    %c0_i32_0 = arith.constant 0 : i32
    return %arg0, %c0_i32 : i32, i32
  }
  func.func @transform_2(%arg0: i32) -> (i32, i32) {
    %c0_i32 = arith.constant 0 : i32
    %c0_i32_0 = arith.constant 0 : i32
    return %arg0, %c0_i32 : i32, i32
  }
  func.func @transform_3(%arg0: i32) -> (i32, i32) {
    %c0_i32 = arith.constant 0 : i32
    %c0_i32_0 = arith.constant 0 : i32
    return %arg0, %c0_i32 : i32, i32
  }
  func.func @transform_4(%arg0: i32) -> (i32, i32) {
    %c0_i32 = arith.constant 0 : i32
    %c0_i32_0 = arith.constant 0 : i32
    return %arg0, %c0_i32 : i32, i32
  }
  func.func @transform_5(%arg0: i32) -> (i32, i32) {
    %c0_i32 = arith.constant 0 : i32
    %c0_i32_0 = arith.constant 0 : i32
    %c0_i32_1 = arith.constant 0 : i32
    return %c0_i32, %c0_i32_0 : i32, i32
  }
  func.func @transform_6(%arg0: i32) -> (i32, i32) {
    %c0_i32 = arith.constant 0 : i32
    %c0_i32_0 = arith.constant 0 : i32
    %c0_i32_1 = arith.constant 0 : i32
    return %c0_i32, %c0_i32_0 : i32, i32
  }
  func.func @transform_7(%arg0: i32) -> (i32, i32) {
    %c0_i32 = arith.constant 0 : i32
    %c0_i32_0 = arith.constant 0 : i32
    %c0_i32_1 = arith.constant 0 : i32
    return %c0_i32, %c0_i32_0 : i32, i32
  }
  func.func @transform_8(%arg0: i32) -> (i32, i32) {
    %c0_i32 = arith.constant 0 : i32
    %c0_i32_0 = arith.constant 0 : i32
    return %arg0, %c0_i32 : i32, i32
  }
}

module attributes {stable_mosaic.version = 14 : i64} {
  func.func @_tc_final_body(%arg0: i32, %arg1: memref<1024x128xf32, #tpu.memory_space<vmem>>, %arg2: memref<1024x128xf32, #tpu.memory_space<vmem>>, %arg3: memref<1024x128xf32, #tpu.memory_space<vmem>>, %arg4: memref<1024x16xf32, #tpu.memory_space<vmem>>, %arg5: memref<1024x16xf32, #tpu.memory_space<vmem>>, %arg6: memref<128x128xf32, #tpu.memory_space<vmem>>, %arg7: memref<128x128xf32, #tpu.memory_space<vmem>>, %arg8: memref<1x128xf32, #tpu.memory_space<vmem>>, %arg9: memref<128x128xf32, #tpu.memory_space<vmem>>, %arg10: memref<1x128xf32, #tpu.memory_space<vmem>>, %arg11: memref<1024x128xf32, #tpu.memory_space<vmem>>) attributes {dimension_semantics = [#tpu.dimension_semantics<arbitrary>], iteration_bounds = array<i64: 10>, scalar_prefetch = 0 : i64, scratch_operands = 0 : i64, tpu.core_type = #tpu.core_type<tc>, window_params = [{transform_indices = @transform_0, window_bounds = array<i64: 1024, 128>}, {transform_indices = @transform_1, window_bounds = array<i64: 1024, 128>}, {transform_indices = @transform_2, window_bounds = array<i64: 1024, 128>}, {transform_indices = @transform_3, window_bounds = array<i64: 1024, 16>}, {transform_indices = @transform_4, window_bounds = array<i64: 1024, 16>}, {pipeline_mode = #tpu.pipeline_mode<synchronous>, transform_indices = @transform_5, window_bounds = array<i64: 128, 128>}, {pipeline_mode = #tpu.pipeline_mode<synchronous>, transform_indices = @transform_6, window_bounds = array<i64: 128, 128>}, {pipeline_mode = #tpu.pipeline_mode<synchronous>, transform_indices = @transform_7, window_bounds = array<i64: 1, 128>}, {pipeline_mode = #tpu.pipeline_mode<synchronous>, transform_indices = @transform_8, window_bounds = array<i64: 128, 128>}, {pipeline_mode = #tpu.pipeline_mode<synchronous>, transform_indices = @transform_9, window_bounds = array<i64: 1, 128>}, {transform_indices = @transform_10, window_bounds = array<i64: 1024, 128>}]} {
    %get3A = arith.constant 0 : index
    %get3A_0 = arith.constant 0 : index
    %get3A_1 = vector.load %arg4[%get3A, %get3A_0] : memref<1024x16xf32, #tpu.memory_space<vmem>>, vector<1024x16xf32>
    %get3A_2 = arith.constant 0 : index
    %get3A_3 = arith.constant 0 : index
    %get3A_4 = vector.load %arg5[%get3A_2, %get3A_3] : memref<1024x16xf32, #tpu.memory_space<vmem>>, vector<1024x16xf32>
    %add3A = arith.addf %get3A_1, %get3A_4 : vector<1024x16xf32>
    %reduce_sum3A = arith.constant dense<0.000000e+00> : vector<1024xf32>
    %reduce_sum3A_5 = vector.multi_reduction <add>, %add3A, %reduce_sum3A [1] : vector<1024x16xf32> to vector<1024xf32>
    %broadcast_in_dim3A = vector.shape_cast %reduce_sum3A_5 : vector<1024xf32> to vector<1024x1xf32>
    %mul3A = arith.constant 6.250000e-02 : f32
    %mul3A_6 = vector.broadcast %mul3A : f32 to vector<1024x1xf32>
    %mul3A_7 = arith.mulf %broadcast_in_dim3A, %mul3A_6 : vector<1024x1xf32>
    %max3A = arith.constant 1.000000e+00 : f32
    %max3A_8 = vector.broadcast %max3A : f32 to vector<1024x1xf32>
    %max3A_9 = arith.maximumf %mul3A_7, %max3A_8 : vector<1024x1xf32>
    %get3A_10 = arith.constant 0 : index
    %get3A_11 = arith.constant 0 : index
    %get3A_12 = vector.load %arg2[%get3A_10, %get3A_11] : memref<1024x128xf32, #tpu.memory_space<vmem>>, vector<1024x128xf32>
    %get3A_13 = arith.constant 0 : index
    %get3A_14 = arith.constant 0 : index
    %get3A_15 = vector.load %arg3[%get3A_13, %get3A_14] : memref<1024x128xf32, #tpu.memory_space<vmem>>, vector<1024x128xf32>
    %add3A_16 = arith.addf %get3A_12, %get3A_15 : vector<1024x128xf32>
    %div3A = vector.broadcast %max3A_9 : vector<1024x1xf32> to vector<1024x128xf32>
    %div3A_17 = arith.divf %add3A_16, %div3A : vector<1024x128xf32>
    %get3A_18 = arith.constant 0 : index
    %get3A_19 = arith.constant 0 : index
    %get3A_20 = vector.load %arg1[%get3A_18, %get3A_19] : memref<1024x128xf32, #tpu.memory_space<vmem>>, vector<1024x128xf32>
    %get3A_21 = arith.constant 0 : index
    %get3A_22 = arith.constant 0 : index
    %get3A_23 = vector.load %arg6[%get3A_21, %get3A_22] : memref<128x128xf32, #tpu.memory_space<vmem>>, vector<128x128xf32>
    %dot_general3A = arith.constant dense<0.000000e+00> : vector<1024x128xf32>
    %dot_general3A_24 = tpu.matmul %get3A_20, %get3A_23, %dot_general3A {dimension_numbers = #tpu.dot_dimension_numbers<[1], [0], [0], [1], [0, 0, 1, 1], [], []>, transpose_lhs_hint = false} : vector<1024x128xf32>, vector<128x128xf32>, vector<1024x128xf32> -> vector<1024x128xf32>
    %get3A_25 = arith.constant 0 : index
    %get3A_26 = arith.constant 0 : index
    %get3A_27 = vector.load %arg7[%get3A_25, %get3A_26] : memref<128x128xf32, #tpu.memory_space<vmem>>, vector<128x128xf32>
    %dot_general3A_28 = arith.constant dense<0.000000e+00> : vector<1024x128xf32>
    %dot_general3A_29 = tpu.matmul %div3A_17, %get3A_27, %dot_general3A_28 {dimension_numbers = #tpu.dot_dimension_numbers<[1], [0], [0], [1], [0, 0, 1, 1], [], []>, transpose_lhs_hint = false} : vector<1024x128xf32>, vector<128x128xf32>, vector<1024x128xf32> -> vector<1024x128xf32>
    %add3A_30 = arith.addf %dot_general3A_24, %dot_general3A_29 : vector<1024x128xf32>
    %get3A_31 = arith.constant 0 : index
    %get3A_32 = arith.constant 0 : index
    %get3A_33 = vector.load %arg8[%get3A_31, %get3A_32] : memref<1x128xf32, #tpu.memory_space<vmem>>, vector<1x128xf32>
    %add3A_34 = vector.broadcast %get3A_33 : vector<1x128xf32> to vector<1024x128xf32>
    %add3A_35 = arith.addf %add3A_30, %add3A_34 : vector<1024x128xf32>
    %max3A_36 = arith.constant 0.000000e+00 : f32
    %max3A_37 = vector.broadcast %max3A_36 : f32 to vector<1024x128xf32>
    %max3A_38 = arith.maximumf %add3A_35, %max3A_37 : vector<1024x128xf32>
    %get3A_39 = arith.constant 0 : index
    %get3A_40 = arith.constant 0 : index
    %get3A_41 = vector.load %arg9[%get3A_39, %get3A_40] : memref<128x128xf32, #tpu.memory_space<vmem>>, vector<128x128xf32>
    %dot_general3A_42 = arith.constant dense<0.000000e+00> : vector<1024x128xf32>
    %dot_general3A_43 = tpu.matmul %max3A_38, %get3A_41, %dot_general3A_42 {dimension_numbers = #tpu.dot_dimension_numbers<[1], [0], [0], [1], [0, 0, 1, 1], [], []>, transpose_lhs_hint = false} : vector<1024x128xf32>, vector<128x128xf32>, vector<1024x128xf32> -> vector<1024x128xf32>
    %get3A_44 = arith.constant 0 : index
    %get3A_45 = arith.constant 0 : index
    %get3A_46 = vector.load %arg10[%get3A_44, %get3A_45] : memref<1x128xf32, #tpu.memory_space<vmem>>, vector<1x128xf32>
    %add3A_47 = vector.broadcast %get3A_46 : vector<1x128xf32> to vector<1024x128xf32>
    %add3A_48 = arith.addf %dot_general3A_43, %add3A_47 : vector<1024x128xf32>
    %swap3A = arith.constant 0 : index
    %swap3A_49 = arith.constant 0 : index
    %swap3A_50 = vector.load %arg11[%swap3A, %swap3A_49] : memref<1024x128xf32, #tpu.memory_space<vmem>>, vector<1024x128xf32>
    tpu.vector_store %arg11[%swap3A, %swap3A_49], %add3A_48 {strides = array<i32>} : memref<1024x128xf32, #tpu.memory_space<vmem>>, vector<1024x128xf32>,
    return
  }
  func.func @transform_0(%arg0: i32) -> (i32, i32) {
    %c0_i32 = arith.constant 0 : i32
    %c0_i32_0 = arith.constant 0 : i32
    return %arg0, %c0_i32 : i32, i32
  }
  func.func @transform_1(%arg0: i32) -> (i32, i32) {
    %c0_i32 = arith.constant 0 : i32
    %c0_i32_0 = arith.constant 0 : i32
    return %arg0, %c0_i32 : i32, i32
  }
  func.func @transform_2(%arg0: i32) -> (i32, i32) {
    %c0_i32 = arith.constant 0 : i32
    %c0_i32_0 = arith.constant 0 : i32
    return %arg0, %c0_i32 : i32, i32
  }
  func.func @transform_3(%arg0: i32) -> (i32, i32) {
    %c0_i32 = arith.constant 0 : i32
    %c0_i32_0 = arith.constant 0 : i32
    return %arg0, %c0_i32 : i32, i32
  }
  func.func @transform_4(%arg0: i32) -> (i32, i32) {
    %c0_i32 = arith.constant 0 : i32
    %c0_i32_0 = arith.constant 0 : i32
    return %arg0, %c0_i32 : i32, i32
  }
  func.func @transform_5(%arg0: i32) -> (i32, i32) {
    %c0_i32 = arith.constant 0 : i32
    %c0_i32_0 = arith.constant 0 : i32
    %c0_i32_1 = arith.constant 0 : i32
    return %c0_i32, %c0_i32_0 : i32, i32
  }
  func.func @transform_6(%arg0: i32) -> (i32, i32) {
    %c0_i32 = arith.constant 0 : i32
    %c0_i32_0 = arith.constant 0 : i32
    %c0_i32_1 = arith.constant 0 : i32
    return %c0_i32, %c0_i32_0 : i32, i32
  }
  func.func @transform_7(%arg0: i32) -> (i32, i32) {
    %c0_i32 = arith.constant 0 : i32
    %c0_i32_0 = arith.constant 0 : i32
    %c0_i32_1 = arith.constant 0 : i32
    return %c0_i32, %c0_i32_0 : i32, i32
  }
  func.func @transform_8(%arg0: i32) -> (i32, i32) {
    %c0_i32 = arith.constant 0 : i32
    %c0_i32_0 = arith.constant 0 : i32
    %c0_i32_1 = arith.constant 0 : i32
    return %c0_i32, %c0_i32_0 : i32, i32
  }
  func.func @transform_9(%arg0: i32) -> (i32, i32) {
    %c0_i32 = arith.constant 0 : i32
    %c0_i32_0 = arith.constant 0 : i32
    %c0_i32_1 = arith.constant 0 : i32
    return %c0_i32, %c0_i32_0 : i32, i32
  }
  func.func @transform_10(%arg0: i32) -> (i32, i32) {
    %c0_i32 = arith.constant 0 : i32
    %c0_i32_0 = arith.constant 0 : i32
    return %arg0, %c0_i32 : i32, i32
  }
}

</mosaic_0001>

<sc_bundles>
// kernel: kernel.10.cloned.1.call-start
scs
__scs_entry_jumppad:
0x0: {  	(pc) =	sbr.rel $0x88, $3  }
0x1: {  	(tag) =	ssettag $0x0;
	lr =	simm.s32 $0x1  }
0x2: {  	[smem:$0x3F96] =	sst lr;
	_ =	strace $0xD0000000  }
0x3: {  	_ = 	snop  }
0x4: {  	_ = 	snop  }
0x5: {  	_ = 	snop  }
0x6: {  	_ = 	snop  }
0x7: {  	_ = 	snop  }
__scs_overlays_trampoline_lowered:
0x8: {  	[smem:$0x3FA5] =	sst s0  }
0x9: {  	[smem:$0x3FA6] =	sst s1  }
0xa: {  	[smem:$0x3FA7] =	sst s2  }
0xb: {  	[smem:$0x3FA8] =	sst s3  }
0xc: {  	[smem:$0x3FA9] =	sst s4  }
0xd: {  	[smem:$0x3FAA] =	sst s5  }
0xe: {  	[smem:$0x3FAB] =	sst s6  }
0xf: {  	[smem:$0x3FAC] =	sst s7  }
0x10: {  	[smem:$0x3FAD] =	sst s8  }
0x11: {  	[smem:$0x3FAE] =	sst s9;
	s0 =	simm.s32 @!p0 $0x0  }
0x12: {  	s1 =	sld [smem:$0x3F94];
	s0 =	simm.s32 @p0 $0x1  }
0x13: {  	[smem:$0x3FAF] =	sst s0;
	s0 =	simm.s32 @!p1 $0x0  }
0x14: {  	s2 =	sld [smem:$0x3F93];
	s0 =	simm.s32 @p1 $0x1  }
0x15: {  	[smem:$0x3FB0] =	sst s0;
	s0 =	simm.s32 @!p2 $0x0  }
0x16: {  	s3 =	sld [smem:$0x3FDB];
	s0 =	simm.s32 @p2 $0x1  }
0x17: {  	s4 =	simm.s32 $0x1BF5;
	[smem:$0x3FB2] =	sst s0  }
0x18: {  	s0 =	sld [smem:$0x3F95];
	_ =	swait.ge [sflag:s4], $0x0  }
0x19: {  	s7 =	sld [smem:$0x3F96]  }
0x1a: {  	s8 =	sadd.s32 $0xFFFFE003, lr  }
0x1b: {  	s9 =	sadd.s32 $0xFFFFFEF7, lr;
	s5 =	simm.s32 $0xFFFFFFFF;
	p2 =	slt.u32 s8, $0xFFFFF086  }
0x1c: {  	p1 =	slt.u32 s9, $0xF7A;
	s5 =	simm.s32 @!p2 $0x0  }
0x1d: {  	s5 =	simm.s32 @p1 $0x1;
	p0 =	seq.s32 s7, s2  }
0x1e: {  	s7 =	smul.u32 @!p0 $0xF7A, s2;
	p2 =	seq.s32 @!p0 s5, $0x0  }
0x1f: {  	s9 =	smul.u32 $0xF7A, s1;
	s8 =	simm.s32 @!p0 $0x1BF5;
	p2 =	por !p2, p0  }
0x20: {  	[sflag:s8] =	ssyncset.s32 @!p0 $0xFFFFF086;
	s6 =	sadd.s32 @!p0 s3, s7;
	s7 =	simm.s32 @!p0 $0x108  }
0x21: {  	s3 =	sadd.s32 s3, s9;
	s6 =	sadd.s32 @!p0 $0x88, s6;
	s7 =	simm.s32 @p2 $0x1082  }
0x22: {  	[simem:s7], [sflag:s8] =	dma.local @!p0 [hbm:s6], $0xF7A  }
0x23: {  	s9 =	sor.u32 $0xD0000000, s2;
	s6 =	simm.s32 $0x108;
	_ =	swait.ge @!p0 [sflag:s8], $0x0  }
0x24: {  	s3 =	sadd.s32 $0x88, s3;
	s6 =	simm.s32 @!p1 $0x1082;
	[sflag:s4] =	ssyncset.s32 $0xFFFFF086  }
0x25: {  	[simem:s6], [sflag:s4] =	dma.local [hbm:s3], $0xF7A  }
0x26: {  	[smem:$0x3F96] =	sst s1;
	(tag) =	ssettag s2;
	_ =	strace s9  }
0x27: {  	s1 =	sld [smem:$0x3FA6]  }
0x28: {  	s2 =	sld [smem:$0x3FA7]  }
0x29: {  	s4 =	sld [smem:$0x3FA9]  }
0x2a: {  	p0 =	seq.s32 s5, $0x0;
	s5 =	sld [smem:$0x3FAA]  }
0x2b: {  	s6 =	sld [smem:$0x3FAB]  }
0x2c: {  	s7 =	sld [smem:$0x3FAC]  }
0x2d: {  	s3 =	simm.s32 $0x108;
	s8 =	sld [smem:$0x3FAD]  }
0x2e: {  	s3 =	simm.s32 @!p0 $0x1082;
	s9 =	sld [smem:$0x3FAE]  }
0x2f: {  	lr =	sadd.s32 s0, s3;
	s0 =	sld [smem:$0x3FA5]  }
0x30: {  	s3 =	sld [smem:$0x3FA8]  }
0x31: {  	[smem:$0x3FB1] =	sst s10  }
0x32: {  	s10 =	sld [smem:$0x3FAF];
	_ =	sdelay $0x3  }
0x33: {  	p0 =	seq.s32 s10, $0x1;
	s10 =	sld [smem:$0x3FB1];
	_ =	sdelay $0x3  }
0x34: {  	[smem:$0x3FB1] =	sst s10  }
0x35: {  	s10 =	sld [smem:$0x3FB0];
	_ =	sdelay $0x3  }
0x36: {  	p1 =	seq.s32 s10, $0x1;
	s10 =	sld [smem:$0x3FB1];
	_ =	sdelay $0x3  }
0x37: {  	[smem:$0x3FB1] =	sst s10  }
0x38: {  	s10 =	sld [smem:$0x3FB2]  }
0x39: {  	_ = 	snop;
	(pc) =	sbr.ind lr, $3  }
0x3a: {  	_ = 	snop  }
0x3b: {  	_ = 	snop  }
0x3c: {  	p2 =	seq.s32 s10, $0x1;
	s10 =	sld [smem:$0x3FB1]  }
0x3d: {  	_ =	shalt  }
0x3e: {  	_ =	shalt  }
0x3f: {  	_ =	shalt  }
0x40: {  	_ =	shalt  }
0x41: {  	_ =	shalt  }
0x42: {  	_ =	shalt  }
0x43: {  	_ =	shalt  }
0x44: {  	_ =	shalt  }
0x45: {  	_ =	shalt  }
0x46: {  	_ =	shalt  }
0x47: {  	_ =	shalt  }
0x48: {  	_ =	shalt  }
0x49: {  	_ =	shalt  }
0x4a: {  	_ =	shalt  }
0x4b: {  	_ =	shalt  }
0x4c: {  	_ =	shalt  }
0x4d: {  	_ =	shalt  }
0x4e: {  	_ =	shalt  }
0x4f: {  	_ =	shalt  }
0x50: {  	_ =	shalt  }
0x51: {  	_ =	shalt  }
0x52: {  	_ =	shalt  }
0x53: {  	_ =	shalt  }
0x54: {  	_ =	shalt  }
0x55: {  	_ =	shalt  }
0x56: {  	_ =	shalt  }
0x57: {  	_ =	shalt  }
0x58: {  	_ =	shalt  }
0x59: {  	_ =	shalt  }
0x5a: {  	_ =	shalt  }
0x5b: {  	_ =	shalt  }
0x5c: {  	_ =	shalt  }
0x5d: {  	_ =	shalt  }
0x5e: {  	_ =	shalt  }
0x5f: {  	_ =	shalt  }
0x60: {  	_ =	shalt  }
0x61: {  	_ =	shalt  }
0x62: {  	_ =	shalt  }
0x63: {  	_ =	shalt  }
0x64: {  	_ =	shalt  }
0x65: {  	_ =	shalt  }
0x66: {  	_ =	shalt  }
0x67: {  	_ =	shalt  }
0x68: {  	_ =	shalt  }
0x69: {  	_ =	shalt  }
0x6a: {  	_ =	shalt  }
0x6b: {  	_ =	shalt  }
0x6c: {  	_ =	shalt  }
0x6d: {  	_ =	shalt  }
0x6e: {  	_ =	shalt  }
0x6f: {  	_ =	shalt  }
0x70: {  	_ =	shalt  }
0x71: {  	_ =	shalt  }
0x72: {  	_ =	shalt  }
0x73: {  	_ =	shalt  }
0x74: {  	_ =	shalt  }
0x75: {  	_ =	shalt  }
0x76: {  	_ =	shalt  }
0x77: {  	_ =	shalt  }
0x78: {  	_ =	shalt  }
0x79: {  	_ =	shalt  }
0x7a: {  	_ =	shalt  }
0x7b: {  	_ =	shalt  }
0x7c: {  	_ =	shalt  }
0x7d: {  	_ =	shalt  }
0x7e: {  	_ =	shalt  }
0x7f: {  	_ =	shalt  }
0x80: {  	_ =	shalt  }
0x81: {  	_ =	shalt  }
0x82: {  	_ =	shalt  }
0x83: {  	_ =	shalt  }
0x84: {  	_ =	shalt  }
0x85: {  	_ =	shalt  }
0x86: {  	_ =	shalt  }
0x87: {  	_ =	shalt  }
.Lfunc_end0:
.L_simem_size_0:
called_computation.1_lowered:
.L_overlay_start_0:
0x88: {  	s2 =	sld [smem:$0x3FD9]  }
0x89: {  	s3 =	sld [smem:$0x3FFE];
	_ =	sdelay $0x1  }
0x8a: {  	s1 =	srdreg.scid  }
0x8b: {  	s0 =	sand.u32 $0x1, s1  }
0x8c: {  	s17 =	sshll.u32 s0, $0xA;
	s2 =	sadd.s32 s3, s2  }
0x8d: {  	s2 =	sadd.s32 s2, s17  }
0x8e: {  	[smem:$0x3FBD] =	sst s2  }
0x8f: {  	_ = 	snop  }
0x90: {  	s2 =	sld [smem:$0x3FD0];
	(tm) =	ssettm $0x1  }
0x91: {  	s18 =	sld [smem:$0x3FFB];
	_ =	sdelay $0x3  }
0x92: {  	_ =	strace s18  }
0x93: {  	s3 =	sld [smem:$0x3FFC];
	_ =	sdelay $0x3  }
0x94: {  	_ =	strace s3  }
0x95: {  	s3 =	sld [smem:$0x3FFD];
	_ =	sdelay $0x3  }
0x96: {  	_ =	strace s3  }
0x97: {  	_ =	strace $0x8FFFFFFF  }
0x98: {  	s19 =	sld [smem:$0x3FDB];
	_ =	sdelay $0x1  }
0x99: {  	s4 =	simm.s32 $_scs_section_size  }
0x9a: {  	s5 =	simm.s32 $_size__tile_overlayer_lowered;
	s6 =	simm.s32 $_tile_overlayer_lowered  }
0x9b: {  	s22 =	simm.s32 $0x1BFF;
	s21 =	sshll.u32 s6, $0x1;
	s3 =	sadd.s32 s4, s19  }
0x9c: {  	s7 =	simm.s32 $0x0;
	s20 =	sshll.u32 s5, $0x1;
	s5 =	sadd.s32 s21, s3  }
0x9d: {  	[timem:s7], [sflag:s22] =	dma.local [hbm:s5], s20  }
0x9e: {  	_ =	swait.ge [sflag:s22], s20  }
0x9f: {  	s4 =	ssub.s32 $0x0, s20;
	[sflag:s22] =	ssyncset.done $0x0  }
0xa0: {  	[sflag:s22] =	ssyncadd.s32 s4;
	_ =	sdelay $0x1  }
0xa1: {  	s23 =	simm.s32 $0x1B8B  }
0xa2: {  	_ =	swait.ge [sflag:s23], $0x1  }
0xa3: {  	[sflag:s23] =	ssyncset.done $0x0  }
0xa4: {  	s25 =	simm.s32 $0x1B8E;
	s24 =	sld [smem:$0x3FFE];
	[sflag:s23] =	ssyncadd.s32 $0xFFFFFFFF  }
0xa5: {  	s26 =	simm.s32 $execute0_lowered;
	[smem:$0x3FD2] =	sst s25  }
0xa6: {  	s5 =	sshll.u32 s26, $0x1;
	_ =	strace $0x80000046;
	[dreg:$0x1] =	wrdreg $0xFFFFFFFF  }
0xa7: {  	s28 =	simm.s32 $_size_execute0_lowered;
	s3 =	sadd.s32 s3, s5;
	[dreg:$0x0] =	wrdreg $0x0  }
0xa8: {  	s5 =	sshll.u32 s28, $0x1;
	[dreg:$0x2] =	wrdreg s3  }
0xa9: {  	[dreg:$0x3] =	wrdreg s5  }
0xaa: {  	[dreg:$0x4] =	wrdreg $0xC0  }
0xab: {  	_ =	task [dreg:s7], $0x5FFFF  }
0xac: {  	[dreg:$0x1] =	wrdreg $0xFFFFFFFF  }
0xad: {  	[dreg:$0x0] =	wrdreg $0x60  }
0xae: {  	[dreg:$0x2] =	wrdreg s24  }
0xaf: {  	[dreg:$0x3] =	wrdreg s2  }
0xb0: {  	[dreg:$0x4] =	wrdreg $0x57000  }
0xb1: {  	[dreg:$0x5] =	wrdreg $0x7F000  }
0xb2: {  	[dreg:$0x6] =	wrdreg $0xA  }
0xb3: {  	_ =	task.clear_ibuf [dreg:s7], $0x7FFFF;
	_ =	strace $0x90000046  }
0xb4: {  	s29 =	simm.s32 $0xA;
	_ =	strace $0x80000048  }
0xb5: {  	_ =	swait.ge [sflag:s29], $0x1  }
0xb6: {  	[sflag:s29] =	ssyncadd.s32 $0xFFFFFFFF  }
0xb7: {  	_ =	strace $0x90000048  }
0xb8: {  	_ =	sfence  }
0xb9: {  	s30 =	sld [smem:$0x0];
	_ =	sdelay $0x2  }
0xba: {  	s31 =	sshll.u32 s1, $0xD;
	s1 =	sshrl.u32 s1, $0x2  }
0xbb: {  	s3 =	sand.u32 $0x4000, s31;
	s1 =	sadd.s32 s1, s30  }
0xbc: {  	s0 =	sor.u32 s3, s0;
	s1 =	sshll.u32 s1, $0x11  }
0xbd: {  	s0 =	sor.u32 s1, s0  }
0xbe: {  	s0 =	sadd.s32 $0x8F2B, s0  }
0xbf: {  	[sflag:s0] =	ssyncadd.remote.s32 $0x1  }
0xc0: {  	_ =	sfence.sel $0xFFFF  }
0xc1: {  	[dreg:$0x0] =	wrdreg $0xFFFFFFFF;
	(pc) =	sbr.abs _section_cstart, $3  }
0xc2: {  	[dreg:$0x1] =	wrdreg $0xFFFFFFFF  }
0xc3: {  	_ =	task.clear_ibuf [dreg:s7], $0x2FFFF;
	_ =	strace $0x9FFFFFFF  }
0xc4: {  	(tm) =	ssettm $0x7FFFFFFF  }
0xc5: {  	_ =	shalt  }
tec
execute0_lowered:
.L_overlay_start_1:
0x0: {  	(tag) =	ssettag $0x1  }
0x1: {  	s6 =	rddreg [dreg:$0x0]  }
0x2: {  	s1 =	rddreg [dreg:$0x1]  }
0x3: {  	s3 =	rddreg [dreg:$0x2]  }
0x4: {  	s0 =	srdreg.scid;
	s4 =	rddreg [dreg:$0x3]  }
0x5: {  	s2 =	rddreg [dreg:$0x4];
	s7 =	sand.u32 $0x1, s0  }
0x6: {  	s5 =	simm.s32 $0x0;
	s0 =	stileid.u32;
	s8 =	smul.u32 $0x27800, s7  }
0x7: {  	s14 =	simm.s32 $0x4F00;
	s18 =	simm.s32 $0x80;
	s9 =	smul.u32 $0x2780, s0  }
0x8: {  	s19 =	simm.s32 $0x0;
	[smem:$0x7FF] =	sst s5;
	s10 =	smul.u32 $0x2800, s0  }
0x9: {  	s30 =	smul.u32 $0x28000, s7;
	s7 =	ssub.s32 $0x2, s7;
	s15 =	sshll.u32 s0, $0x6  }
0xa: {  	_ =	strace $0x80000047;
	s31 =	sshrl.u32 s7, $0x1;
	s15 =	sor.u32 $0x1C01, s15  }
0xb: {  	s8 =	sadd.s32 s9, s8;
	s9 =	sadd.s32 s10, s30;
	s11 =	sshrl.u32 s10, $0x3  }
0xc: {  	s13 =	ssub.s32 s7, s31;
	s16 =	sadd.s32 s10, s3;
	s17 =	sadd.s32 s10, s4  }
0xd: {  	s8 =	sshrl.u32 s8, $0x3;
	s9 =	sshrl.u32 s9, $0x3;
	s11 =	sadd.s32 s11, s6  }
0xe: {  	s16 =	sshrl.u32 s16, $0x3;
	s17 =	sshrl.u32 s17, $0x3;
	s8 =	sadd.s32 s8, s6  }
0xf: {  	s12 =	sadd.s32 s9, s6;
	s6 =	sadd.s32 $0xD000, s8;
	s7 =	sadd.s32 $0x3200, s8  }
0x10: {  	s8 =	sadd.s32 $0x16E00, s11;
	s9 =	sadd.s32 $0x1BE00, s12;
	s10 =	sadd.s32 $0x25E00, s12  }
0x11: {  	s11 =	smax.u32 s13, $0x1;
	s12 =	simm.s32 $0x1;
	s13 =	simm.s32 $0x2780  }
.LBB2_1:
0x12: {  	[tilespmem:s5], [sflag:$0x1] =	stream.linear.gather [hbm4b:s6+s5], $0x2780, $0x38;
	[tilespmem:$0xA700] =	vst v63  }
0x13: {  	_ =	swait.ge [sflag:s12], $0x2780  }
0x14: {  	[sflag:s12] =	ssyncset.done $0x0  }
0x15: {  	[sflag:s12] =	ssyncadd.s32 $0xFFFFD880  }
0x16: {  	[tilespmem:s13], [sflag:$0x1] =	stream.linear.gather [hbm4b:s7+s5], $0x2780, $0x38;
	[tilespmem:$0xA700] =	vst v63  }
0x17: {  	_ =	swait.ge [sflag:s12], $0x2780  }
0x18: {  	[sflag:s12] =	ssyncset.done $0x0  }
0x19: {  	[sflag:s12] =	ssyncadd.s32 $0xFFFFD880  }
0x1a: {  	[tilespmem:s14], [sflag:$0x1] =	stream.linear.gather [hbm4b:s1+s5], $0x800, $0x38;
	[tilespmem:$0xA700] =	vst v63  }
0x1b: {  	_ =	swait.ge [sflag:s12], $0x800  }
0x1c: {  	[sflag:s12] =	ssyncset.done $0x0  }
0x1d: {  	[sflag:s12] =	ssyncadd.s32 $0xFFFFF800  }
0x1e: {  	[spmem:s16], [sflag:s15] =	dma.local [hbm:s8], $0x500  }
0x1f: {  	_ =	swait.ge [sflag:s12], $0x500  }
0x20: {  	[sflag:s12] =	ssyncset.done $0x0  }
0x21: {  	[sflag:s12] =	ssyncadd.s32 $0xFFFFFB00  }
0x22: {  	[spmem:s17], [sflag:s15] =	dma.local [hbm:s8], $0x500  }
0x23: {  	_ =	swait.ge [sflag:s12], $0x500  }
0x24: {  	[sflag:s12] =	ssyncset.done $0x0  }
0x25: {  	[sflag:s12] =	ssyncadd.s32 $0xFFFFFB00  }
0x26: {  	s20 =	simm.s32 $0x0;
	[bflag:$0x0] =	sbarrier.arrive $0xFFFF  }
0x27: {  	[spmem:s3] =	stream.indirect.scatter.add.f32 [tilespmem:s14], [sflag:$0x1], $0x10, s20, s18, $0xb8;
	[tilespmem:$0xA700] =	vst v63  }
0x28: {  	_ =	swait.ge [sflag:s12], $0x800  }
0x29: {  	[sflag:s12] =	ssyncset.done $0x0  }
0x2a: {  	s31 =	simm.s32 $0x2780;
	[sflag:s12] =	ssyncadd.s32 $0xFFFFF800  }
0x2b: {  	[spmem:s4] =	stream.indirect.scatter.add.f32 [tilespmem:s14], [sflag:$0x1], $0x10, s31, s18, $0xb8;
	[tilespmem:$0xA700] =	vst v63  }
0x2c: {  	_ =	swait.ge [sflag:s12], $0x800  }
0x2d: {  	s21 =	simm.s32 $0x400;
	s20 =	simm.s32 $0x200;
	[sflag:s12] =	ssyncset.done $0x0  }
.LBB2_2:
0x2e: {  	s22 =	sshra.s32 s20, $0x2  }
0x2f: {  	[sflag:s12] =	ssyncadd.s32 $0xFFFFF800;
	s20 =	smov.u32 s21;
	s23 =	sadd.s32 $0x200, s21  }
0x30: {  	[spmem:s3] =	stream.indirect.scatter.add.f32 [tilespmem:s14], [sflag:$0x1], $0x10, s22, s18, $0xb8;
	[tilespmem:$0xA700] =	vst v63  }
0x31: {  	p0 =	sne.s32 s21, $0x9C00;
	_ =	swait.ge [sflag:s12], $0x800  }
.Ltmp0:
0x32: {  	[sflag:s12] =	ssyncset.done $0x0;
	(pc) =	sbr.rel @p0 .LBB2_2-.Ltmp0, $4  }
0x33: {  	s21 =	sadd.s32 $0x2780, s22;
	[sflag:s12] =	ssyncadd.s32 $0xFFFFF800  }
0x34: {  	[spmem:s4] =	stream.indirect.scatter.add.f32 [tilespmem:s14], [sflag:$0x1], $0x10, s21, s18, $0xb8;
	[tilespmem:$0xA700] =	vst v63  }
0x35: {  	_ =	swait.ge [sflag:s12], $0x800  }
0x36: {  	s21 =	smov.u32 s23;
	[sflag:s12] =	ssyncset.done $0x0  }
0x37: {  	s20 =	sshra.s32 s20, $0x2;
	[sflag:s12] =	ssyncadd.s32 $0xFFFFF800  }
0x38: {  	[spmem:s3] =	stream.indirect.scatter.add.f32 [tilespmem:s14], [sflag:$0x1], $0x10, s20, s18, $0xb8;
	[tilespmem:$0xA700] =	vst v63  }
0x39: {  	_ =	swait.ge [sflag:s12], $0x800  }
0x3a: {  	[sflag:s12] =	ssyncset.done $0x0  }
0x3b: {  	s20 =	sadd.s32 $0x2780, s20;
	[sflag:s12] =	ssyncadd.s32 $0xFFFFF800  }
0x3c: {  	[spmem:s4] =	stream.indirect.scatter.add.f32 [tilespmem:s14], [sflag:$0x1], $0x10, s20, s18, $0xb8;
	[tilespmem:$0xA700] =	vst v63  }
0x3d: {  	_ =	swait.ge [sflag:s12], $0x800  }
0x3e: {  	[sflag:s12] =	ssyncset.done $0x0  }
0x3f: {  	[sflag:s12] =	ssyncadd.s32 $0xFFFFF800  }
0x40: {  	[bflag:$0x0] =	sbarrier.arrive $0xFFFF  }
0x41: {  	[hbm:s9], [sflag:s15] =	dma.local [spmem:s16], $0x500  }
0x42: {  	s19 =	sadd.s32 $0x1, s19;
	_ =	swait.ge [sflag:s12], $0x500  }
0x43: {  	p0 =	sne.s32 s19, s11;
	[sflag:s12] =	ssyncset.done $0x0  }
.Ltmp1:
0x44: {  	[sflag:s12] =	ssyncadd.s32 $0xFFFFFB00;
	(pc) =	sbr.rel @p0 .LBB2_1-.Ltmp1, $4  }
0x45: {  	[hbm:s10], [sflag:s15] =	dma.local [spmem:s17], $0x500  }
0x46: {  	_ =	swait.ge [sflag:s12], $0x500  }
0x47: {  	[sflag:s12] =	ssyncset.done $0x0  }
0x48: {  	[sflag:s12] =	ssyncadd.s32 $0xFFFFFB00  }
0x49: {  	_ =	sfence.sel $0x180000  }
0x4a: {  	[bflag:$0x0] =	sbarrier.arrive $0xFFFF  }
0x4b: {  	p0 =	sne.s32 s0, $0x0;
	_ =	strace $0x90000047  }
0x4c: {  	s0 =	sadd.s32 @!p0 $0x100000, s2;
	[bflag:$0x2] =	sbarrier.arrive $0xFFFF  }
0x4d: {  	[sflag:s0] =	ssyncadd.tile.s32 @!p0 $0x1;
	_ =	shalt  }
.Lfunc_end2:
_tile_overlayer_lowered:
.L_overlay_start_2:
0x4e: {  	(tag) =	ssettag $0x2  }
0x4f: {  	s0 =	rddreg [dreg:$0x0];
	s2 =	stileid.u32  }
0x50: {  	s1 =	rddreg [dreg:$0x1];
	p0 =	sne.s32 s2, $0x0  }
0x51: {  	s3 =	rddreg [dreg:$0x2];
	[bflag:$0x3] =	sbarrier.arrive $0xFFFF;
	s2 =	simm.s32 @!p0 $0x1C01  }
0x52: {  	[timem:s3], [sflag:s2] =	dma.local @!p0 [hbm:s0], s1  }
0x53: {  	s0 =	simm.s32 @!p0 $0x1  }
0x54: {  	_ =	swait.ge @!p0 [sflag:s0], s1  }
0x55: {  	s1 =	ssub.s32 @!p0 $0x0, s1;
	[sflag:s0] =	ssyncset.done @!p0 $0x0  }
0x56: {  	[sflag:s0] =	ssyncadd.s32 @!p0 s1  }
0x57: {  	[bflag:$0x3] =	sbarrier.arrive $0xFFFF  }
0x58: {  	_ =	shalt  }

// kernel: kernel.13.cloned.1.call-start
scs
__scs_entry_jumppad:
0x0: {  	(pc) =	sbr.rel $0x88, $3  }
0x1: {  	(tag) =	ssettag $0x0;
	lr =	simm.s32 $0x1  }
0x2: {  	[smem:$0x3F96] =	sst lr;
	_ =	strace $0xD0000000  }
0x3: {  	_ = 	snop  }
0x4: {  	_ = 	snop  }
0x5: {  	_ = 	snop  }
0x6: {  	_ = 	snop  }
0x7: {  	_ = 	snop  }
__scs_overlays_trampoline_lowered:
0x8: {  	[smem:$0x3FA5] =	sst s0  }
0x9: {  	[smem:$0x3FA6] =	sst s1  }
0xa: {  	[smem:$0x3FA7] =	sst s2  }
0xb: {  	[smem:$0x3FA8] =	sst s3  }
0xc: {  	[smem:$0x3FA9] =	sst s4  }
0xd: {  	[smem:$0x3FAA] =	sst s5  }
0xe: {  	[smem:$0x3FAB] =	sst s6  }
0xf: {  	[smem:$0x3FAC] =	sst s7  }
0x10: {  	[smem:$0x3FAD] =	sst s8  }
0x11: {  	[smem:$0x3FAE] =	sst s9;
	s0 =	simm.s32 @!p0 $0x0  }
0x12: {  	s1 =	sld [smem:$0x3F94];
	s0 =	simm.s32 @p0 $0x1  }
0x13: {  	[smem:$0x3FAF] =	sst s0;
	s0 =	simm.s32 @!p1 $0x0  }
0x14: {  	s2 =	sld [smem:$0x3F93];
	s0 =	simm.s32 @p1 $0x1  }
0x15: {  	[smem:$0x3FB0] =	sst s0;
	s0 =	simm.s32 @!p2 $0x0  }
0x16: {  	s3 =	sld [smem:$0x3FDB];
	s0 =	simm.s32 @p2 $0x1  }
0x17: {  	s4 =	simm.s32 $0x1BF5;
	[smem:$0x3FB2] =	sst s0  }
0x18: {  	s0 =	sld [smem:$0x3F95];
	_ =	swait.ge [sflag:s4], $0x0  }
0x19: {  	s7 =	sld [smem:$0x3F96]  }
0x1a: {  	s8 =	sadd.s32 $0xFFFFE003, lr  }
0x1b: {  	s9 =	sadd.s32 $0xFFFFFEF7, lr;
	s5 =	simm.s32 $0xFFFFFFFF;
	p2 =	slt.u32 s8, $0xFFFFF086  }
0x1c: {  	p1 =	slt.u32 s9, $0xF7A;
	s5 =	simm.s32 @!p2 $0x0  }
0x1d: {  	s5 =	simm.s32 @p1 $0x1;
	p0 =	seq.s32 s7, s2  }
0x1e: {  	s7 =	smul.u32 @!p0 $0xF7A, s2;
	p2 =	seq.s32 @!p0 s5, $0x0  }
0x1f: {  	s9 =	smul.u32 $0xF7A, s1;
	s8 =	simm.s32 @!p0 $0x1BF5;
	p2 =	por !p2, p0  }
0x20: {  	[sflag:s8] =	ssyncset.s32 @!p0 $0xFFFFF086;
	s6 =	sadd.s32 @!p0 s3, s7;
	s7 =	simm.s32 @!p0 $0x108  }
0x21: {  	s3 =	sadd.s32 s3, s9;
	s6 =	sadd.s32 @!p0 $0x88, s6;
	s7 =	simm.s32 @p2 $0x1082  }
0x22: {  	[simem:s7], [sflag:s8] =	dma.local @!p0 [hbm:s6], $0xF7A  }
0x23: {  	s9 =	sor.u32 $0xD0000000, s2;
	s6 =	simm.s32 $0x108;
	_ =	swait.ge @!p0 [sflag:s8], $0x0  }
0x24: {  	s3 =	sadd.s32 $0x88, s3;
	s6 =	simm.s32 @!p1 $0x1082;
	[sflag:s4] =	ssyncset.s32 $0xFFFFF086  }
0x25: {  	[simem:s6], [sflag:s4] =	dma.local [hbm:s3], $0xF7A  }
0x26: {  	[smem:$0x3F96] =	sst s1;
	(tag) =	ssettag s2;
	_ =	strace s9  }
0x27: {  	s1 =	sld [smem:$0x3FA6]  }
0x28: {  	s2 =	sld [smem:$0x3FA7]  }
0x29: {  	s4 =	sld [smem:$0x3FA9]  }
0x2a: {  	p0 =	seq.s32 s5, $0x0;
	s5 =	sld [smem:$0x3FAA]  }
0x2b: {  	s6 =	sld [smem:$0x3FAB]  }
0x2c: {  	s7 =	sld [smem:$0x3FAC]  }
0x2d: {  	s3 =	simm.s32 $0x108;
	s8 =	sld [smem:$0x3FAD]  }
0x2e: {  	s3 =	simm.s32 @!p0 $0x1082;
	s9 =	sld [smem:$0x3FAE]  }
0x2f: {  	lr =	sadd.s32 s0, s3;
	s0 =	sld [smem:$0x3FA5]  }
0x30: {  	s3 =	sld [smem:$0x3FA8]  }
0x31: {  	[smem:$0x3FB1] =	sst s10  }
0x32: {  	s10 =	sld [smem:$0x3FAF];
	_ =	sdelay $0x3  }
0x33: {  	p0 =	seq.s32 s10, $0x1;
	s10 =	sld [smem:$0x3FB1];
	_ =	sdelay $0x3  }
0x34: {  	[smem:$0x3FB1] =	sst s10  }
0x35: {  	s10 =	sld [smem:$0x3FB0];
	_ =	sdelay $0x3  }
0x36: {  	p1 =	seq.s32 s10, $0x1;
	s10 =	sld [smem:$0x3FB1];
	_ =	sdelay $0x3  }
0x37: {  	[smem:$0x3FB1] =	sst s10  }
0x38: {  	s10 =	sld [smem:$0x3FB2]  }
0x39: {  	_ = 	snop;
	(pc) =	sbr.ind lr, $3  }
0x3a: {  	_ = 	snop  }
0x3b: {  	_ = 	snop  }
0x3c: {  	p2 =	seq.s32 s10, $0x1;
	s10 =	sld [smem:$0x3FB1]  }
0x3d: {  	_ =	shalt  }
0x3e: {  	_ =	shalt  }
0x3f: {  	_ =	shalt  }
0x40: {  	_ =	shalt  }
0x41: {  	_ =	shalt  }
0x42: {  	_ =	shalt  }
0x43: {  	_ =	shalt  }
0x44: {  	_ =	shalt  }
0x45: {  	_ =	shalt  }
0x46: {  	_ =	shalt  }
0x47: {  	_ =	shalt  }
0x48: {  	_ =	shalt  }
0x49: {  	_ =	shalt  }
0x4a: {  	_ =	shalt  }
0x4b: {  	_ =	shalt  }
0x4c: {  	_ =	shalt  }
0x4d: {  	_ =	shalt  }
0x4e: {  	_ =	shalt  }
0x4f: {  	_ =	shalt  }
0x50: {  	_ =	shalt  }
0x51: {  	_ =	shalt  }
0x52: {  	_ =	shalt  }
0x53: {  	_ =	shalt  }
0x54: {  	_ =	shalt  }
0x55: {  	_ =	shalt  }
0x56: {  	_ =	shalt  }
0x57: {  	_ =	shalt  }
0x58: {  	_ =	shalt  }
0x59: {  	_ =	shalt  }
0x5a: {  	_ =	shalt  }
0x5b: {  	_ =	shalt  }
0x5c: {  	_ =	shalt  }
0x5d: {  	_ =	shalt  }
0x5e: {  	_ =	shalt  }
0x5f: {  	_ =	shalt  }
0x60: {  	_ =	shalt  }
0x61: {  	_ =	shalt  }
0x62: {  	_ =	shalt  }
0x63: {  	_ =	shalt  }
0x64: {  	_ =	shalt  }
0x65: {  	_ =	shalt  }
0x66: {  	_ =	shalt  }
0x67: {  	_ =	shalt  }
0x68: {  	_ =	shalt  }
0x69: {  	_ =	shalt  }
0x6a: {  	_ =	shalt  }
0x6b: {  	_ =	shalt  }
0x6c: {  	_ =	shalt  }
0x6d: {  	_ =	shalt  }
0x6e: {  	_ =	shalt  }
0x6f: {  	_ =	shalt  }
0x70: {  	_ =	shalt  }
0x71: {  	_ =	shalt  }
0x72: {  	_ =	shalt  }
0x73: {  	_ =	shalt  }
0x74: {  	_ =	shalt  }
0x75: {  	_ =	shalt  }
0x76: {  	_ =	shalt  }
0x77: {  	_ =	shalt  }
0x78: {  	_ =	shalt  }
0x79: {  	_ =	shalt  }
0x7a: {  	_ =	shalt  }
0x7b: {  	_ =	shalt  }
0x7c: {  	_ =	shalt  }
0x7d: {  	_ =	shalt  }
0x7e: {  	_ =	shalt  }
0x7f: {  	_ =	shalt  }
0x80: {  	_ =	shalt  }
0x81: {  	_ =	shalt  }
0x82: {  	_ =	shalt  }
0x83: {  	_ =	shalt  }
0x84: {  	_ =	shalt  }
0x85: {  	_ =	shalt  }
0x86: {  	_ =	shalt  }
0x87: {  	_ =	shalt  }
.Lfunc_end0:
.L_simem_size_0:
called_computation.2_lowered:
.L_overlay_start_0:
0x88: {  	s2 =	sld [smem:$0x3FD9]  }
0x89: {  	s3 =	sld [smem:$0x3FFE];
	_ =	sdelay $0x1  }
0x8a: {  	s1 =	srdreg.scid  }
0x8b: {  	s0 =	sand.u32 $0x1, s1  }
0x8c: {  	s16 =	sshll.u32 s0, $0xA;
	s2 =	sadd.s32 s3, s2  }
0x8d: {  	s2 =	sadd.s32 s2, s16  }
0x8e: {  	[smem:$0x3FBD] =	sst s2  }
0x8f: {  	_ = 	snop  }
0x90: {  	(tm) =	ssettm $0x1  }
0x91: {  	s17 =	sld [smem:$0x3FFB];
	_ =	sdelay $0x3  }
0x92: {  	_ =	strace s17  }
0x93: {  	s2 =	sld [smem:$0x3FFC];
	_ =	sdelay $0x3  }
0x94: {  	_ =	strace s2  }
0x95: {  	s2 =	sld [smem:$0x3FFD];
	_ =	sdelay $0x3  }
0x96: {  	_ =	strace s2  }
0x97: {  	_ =	strace $0x8FFFFFFF  }
0x98: {  	s18 =	sld [smem:$0x3FDB];
	_ =	sdelay $0x1  }
0x99: {  	s19 =	simm.s32 $_scs_section_size  }
0x9a: {  	s4 =	simm.s32 $_size__tile_overlayer_lowered;
	s5 =	simm.s32 $_tile_overlayer_lowered  }
0x9b: {  	s22 =	simm.s32 $0x1BFF;
	s21 =	sshll.u32 s5, $0x1;
	s2 =	sadd.s32 s19, s18  }
0x9c: {  	s6 =	simm.s32 $0x0;
	s20 =	sshll.u32 s4, $0x1;
	s4 =	sadd.s32 s21, s2  }
0x9d: {  	[timem:s6], [sflag:s22] =	dma.local [hbm:s4], s20  }
0x9e: {  	_ =	swait.ge [sflag:s22], s20  }
0x9f: {  	s3 =	ssub.s32 $0x0, s20;
	[sflag:s22] =	ssyncset.done $0x0  }
0xa0: {  	[sflag:s22] =	ssyncadd.s32 s3;
	_ =	sdelay $0x1  }
0xa1: {  	s23 =	simm.s32 $0x1B8B  }
0xa2: {  	_ =	swait.ge [sflag:s23], $0x1  }
0xa3: {  	[sflag:s23] =	ssyncset.done $0x0  }
0xa4: {  	s25 =	simm.s32 $0x1B8E;
	s24 =	sld [smem:$0x3FFE];
	[sflag:s23] =	ssyncadd.s32 $0xFFFFFFFF  }
0xa5: {  	s26 =	simm.s32 $execute0_lowered;
	[smem:$0x3FD2] =	sst s25  }
0xa6: {  	s4 =	sshll.u32 s26, $0x1;
	_ =	strace $0x8000004C;
	[dreg:$0x1] =	wrdreg $0xFFFFFFFF  }
0xa7: {  	s28 =	simm.s32 $_size_execute0_lowered;
	s2 =	sadd.s32 s2, s4;
	[dreg:$0x0] =	wrdreg $0x0  }
0xa8: {  	s4 =	sshll.u32 s28, $0x1;
	[dreg:$0x2] =	wrdreg s2  }
0xa9: {  	[dreg:$0x3] =	wrdreg s4  }
0xaa: {  	[dreg:$0x4] =	wrdreg $0xC0  }
0xab: {  	_ =	task [dreg:s6], $0x5FFFF  }
0xac: {  	[dreg:$0x1] =	wrdreg $0xFFFFFFFF  }
0xad: {  	[dreg:$0x0] =	wrdreg $0x60  }
0xae: {  	[dreg:$0x2] =	wrdreg s24  }
0xaf: {  	[dreg:$0x3] =	wrdreg $0x90000  }
0xb0: {  	[dreg:$0x4] =	wrdreg $0x9  }
0xb1: {  	_ =	task.clear_ibuf [dreg:s6], $0x5FFFF;
	_ =	strace $0x9000004C  }
0xb2: {  	s29 =	simm.s32 $0x9;
	_ =	strace $0x8000004E  }
0xb3: {  	_ =	swait.ge [sflag:s29], $0x1  }
0xb4: {  	[sflag:s29] =	ssyncadd.s32 $0xFFFFFFFF  }
0xb5: {  	_ =	strace $0x9000004E  }
0xb6: {  	_ =	sfence  }
0xb7: {  	s30 =	sld [smem:$0x0];
	_ =	sdelay $0x2  }
0xb8: {  	s31 =	sshll.u32 s1, $0xD;
	s1 =	sshrl.u32 s1, $0x2  }
0xb9: {  	s3 =	sand.u32 $0x4000, s31;
	s1 =	sadd.s32 s1, s30  }
0xba: {  	s0 =	sor.u32 s3, s0;
	s1 =	sshll.u32 s1, $0x11  }
0xbb: {  	s0 =	sor.u32 s1, s0  }
0xbc: {  	s0 =	sadd.s32 $0x8F2B, s0  }
0xbd: {  	[sflag:s0] =	ssyncadd.remote.s32 $0x1  }
0xbe: {  	_ =	sfence.sel $0xFFFF  }
0xbf: {  	[dreg:$0x0] =	wrdreg $0xFFFFFFFF;
	(pc) =	sbr.abs _section_cstart, $3  }
0xc0: {  	[dreg:$0x1] =	wrdreg $0xFFFFFFFF  }
0xc1: {  	_ =	task.clear_ibuf [dreg:s6], $0x2FFFF;
	_ =	strace $0x9FFFFFFF  }
0xc2: {  	(tm) =	ssettm $0x7FFFFFFF  }
0xc3: {  	_ =	shalt  }
tec
execute0_lowered:
.L_overlay_start_1:
0x0: {  	(tag) =	ssettag $0x1  }
0x1: {  	s5 =	rddreg [dreg:$0x0]  }
0x2: {  	s0 =	srdreg.scid;
	s2 =	rddreg [dreg:$0x1]  }
0x3: {  	s1 =	rddreg [dreg:$0x2];
	s3 =	simm.s32 $0x0;
	s6 =	sand.u32 $0x1, s0  }
0x4: {  	s14 =	simm.s32 $0x80;
	s0 =	stileid.u32;
	s4 =	smul.u32 $0x28000, s6  }
0x5: {  	s15 =	simm.s32 $0x5000;
	s16 =	simm.s32 $0x1;
	s7 =	smul.u32 $0x2800, s0  }
0x6: {  	s17 =	simm.s32 $0x0;
	[smem:$0x7FF] =	sst s3;
	s28 =	smul.u32 $0x14000, s0  }
0x7: {  	_ =	strace $0x8000004D;
	s9 =	smul.u32 $0x140000, s6;
	s6 =	ssub.s32 $0x2, s6  }
0x8: {  	s29 =	smul.u32 $0x50000, s0;
	s31 =	sshll.u32 s0, $0x6;
	s11 =	sshrl.u32 s6, $0x1  }
0x9: {  	s4 =	sadd.s32 s7, s4;
	s10 =	sshrl.u32 s28, $0x3;
	s7 =	sadd.s32 s28, s9  }
0xa: {  	s11 =	ssub.s32 s6, s11;
	s30 =	sshrl.u32 s29, $0x2;
	s6 =	sor.u32 $0x1C02, s31  }
0xb: {  	s8 =	sshrl.u32 s4, $0x3;
	s4 =	sadd.s32 $0x2FE00, s5;
	s10 =	sadd.s32 s10, s5  }
0xc: {  	s7 =	sshrl.u32 s7, $0x3;
	s13 =	sadd.s32 s30, s2;
	s8 =	sadd.s32 s8, s5  }
0xd: {  	s12 =	sadd.s32 s7, s5;
	s5 =	sadd.s32 $0x6BE00, s10;
	s10 =	smax.u32 s11, $0x1  }
0xe: {  	s11 =	sshrl.u32 s13, $0x3;
	s13 =	simm.s32 $0x2800;
	s7 =	sadd.s32 $0xEDE00, s8  }
0xf: {  	s8 =	sadd.s32 $0xE3E00, s8;
	s9 =	sadd.s32 $0x93E00, s12;
	s12 =	simm.s32 $0x2  }
.LBB2_1:
0x10: {  	[spmem:s11], [sflag:s6] =	dma.local [hbm:s5], $0x2800  }
0x11: {  	_ =	swait.ge [sflag:s12], $0x2800  }
0x12: {  	[sflag:s12] =	ssyncset.done $0x0  }
0x13: {  	[sflag:s12] =	ssyncadd.s32 $0xFFFFD800  }
0x14: {  	[tilespmem:s3], [sflag:$0x2] =	stream.linear.gather [hbm4b:s7+s3], $0x2780, $0x38;
	[tilespmem:$0x1D000] =	vst v63  }
0x15: {  	_ =	swait.ge [sflag:s12], $0x2780  }
0x16: {  	[sflag:s12] =	ssyncset.done $0x0  }
0x17: {  	[sflag:s12] =	ssyncadd.s32 $0xFFFFD880  }
0x18: {  	[tilespmem:s13], [sflag:$0x2] =	stream.linear.gather [hbm4b:s8+s3], $0x2780, $0x38;
	[tilespmem:$0x1D000] =	vst v63  }
0x19: {  	_ =	swait.ge [sflag:s12], $0x2780  }
0x1a: {  	[sflag:s12] =	ssyncset.done $0x0  }
0x1b: {  	[sflag:s12] =	ssyncadd.s32 $0xFFFFD880  }
0x1c: {  	s18 =	simm.s32 $0x0;
	[bflag:$0x0] =	sbarrier.arrive $0xFFFF  }
0x1d: {  	[tilespmem:s15], [sflag:$0x1] =	stream.indirect.gather [hbm4b:s4+s14], $0x80, s18, s14, $0xb8;
	[tilespmem:$0x1D000] =	vst v63  }
0x1e: {  	_ =	swait.ge [sflag:s16], $0x4000  }
0x1f: {  	[sflag:s16] =	ssyncset.done $0x0  }
0x20: {  	s31 =	simm.s32 $0x2800;
	[sflag:s16] =	ssyncadd.s32 $0xFFFFC000  }
0x21: {  	[spmem:s2] =	stream.indirect.scatter.add.f32 [tilespmem:s15], [sflag:$0x2], $0x80, s31, s14, $0xb8;
	[tilespmem:$0x1D000] =	vst v63  }
0x22: {  	_ =	swait.ge [sflag:s12], $0x4000  }
0x23: {  	s19 =	simm.s32 $0x400;
	s18 =	simm.s32 $0x200;
	[sflag:s12] =	ssyncset.done $0x0  }
.LBB2_2:
0x24: {  	s20 =	sshra.s32 s18, $0x2  }
0x25: {  	[sflag:s12] =	ssyncadd.s32 $0xFFFFC000;
	s18 =	smov.u32 s19;
	s21 =	sadd.s32 $0x200, s19  }
0x26: {  	[tilespmem:s15], [sflag:$0x1] =	stream.indirect.gather [hbm4b:s4+s14], $0x80, s20, s14, $0xb8;
	[tilespmem:$0x1D000] =	vst v63  }
0x27: {  	p0 =	sne.s32 s19, $0x9C00;
	_ =	swait.ge [sflag:s16], $0x4000  }
.Ltmp0:
0x28: {  	[sflag:s16] =	ssyncset.done $0x0;
	(pc) =	sbr.rel @p0 .LBB2_2-.Ltmp0, $4  }
0x29: {  	s19 =	sadd.s32 $0x2800, s20;
	[sflag:s16] =	ssyncadd.s32 $0xFFFFC000  }
0x2a: {  	[spmem:s2] =	stream.indirect.scatter.add.f32 [tilespmem:s15], [sflag:$0x2], $0x80, s19, s14, $0xb8;
	[tilespmem:$0x1D000] =	vst v63  }
0x2b: {  	_ =	swait.ge [sflag:s12], $0x4000  }
0x2c: {  	s19 =	smov.u32 s21;
	[sflag:s12] =	ssyncset.done $0x0  }
0x2d: {  	s18 =	sshra.s32 s18, $0x2;
	[sflag:s12] =	ssyncadd.s32 $0xFFFFC000  }
0x2e: {  	[tilespmem:s15], [sflag:$0x1] =	stream.indirect.gather [hbm4b:s4+s14], $0x80, s18, s14, $0xb8;
	[tilespmem:$0x1D000] =	vst v63  }
0x2f: {  	_ =	swait.ge [sflag:s16], $0x4000  }
0x30: {  	[sflag:s16] =	ssyncset.done $0x0  }
0x31: {  	s18 =	sadd.s32 $0x2800, s18;
	[sflag:s16] =	ssyncadd.s32 $0xFFFFC000  }
0x32: {  	[spmem:s2] =	stream.indirect.scatter.add.f32 [tilespmem:s15], [sflag:$0x2], $0x80, s18, s14, $0xb8;
	[tilespmem:$0x1D000] =	vst v63  }
0x33: {  	_ =	swait.ge [sflag:s12], $0x4000  }
0x34: {  	s17 =	sadd.s32 $0x1, s17;
	[sflag:s12] =	ssyncset.done $0x0  }
0x35: {  	p0 =	sne.s32 s17, s10;
	[sflag:s12] =	ssyncadd.s32 $0xFFFFC000  }
.Ltmp1:
0x36: {  	[bflag:$0x0] =	sbarrier.arrive $0xFFFF;
	(pc) =	sbr.rel @p0 .LBB2_1-.Ltmp1, $4  }
0x37: {  	[hbm:s9], [sflag:s6] =	dma.local [spmem:s11], $0x2800  }
0x38: {  	_ =	swait.ge [sflag:s12], $0x2800  }
0x39: {  	[sflag:s12] =	ssyncset.done $0x0  }
0x3a: {  	[sflag:s12] =	ssyncadd.s32 $0xFFFFD800  }
0x3b: {  	_ =	sfence.sel $0x180000  }
0x3c: {  	[bflag:$0x0] =	sbarrier.arrive $0xFFFF  }
0x3d: {  	p0 =	sne.s32 s0, $0x0;
	_ =	strace $0x9000004D  }
0x3e: {  	s0 =	sadd.s32 @!p0 $0x100000, s1;
	[bflag:$0x2] =	sbarrier.arrive $0xFFFF  }
0x3f: {  	[sflag:s0] =	ssyncadd.tile.s32 @!p0 $0x1;
	_ =	shalt  }
.Lfunc_end2:
_tile_overlayer_lowered:
.L_overlay_start_2:
0x40: {  	(tag) =	ssettag $0x2  }
0x41: {  	s0 =	rddreg [dreg:$0x0];
	s2 =	stileid.u32  }
0x42: {  	s1 =	rddreg [dreg:$0x1];
	p0 =	sne.s32 s2, $0x0  }
0x43: {  	s3 =	rddreg [dreg:$0x2];
	[bflag:$0x3] =	sbarrier.arrive $0xFFFF;
	s2 =	simm.s32 @!p0 $0x1C02  }
0x44: {  	[timem:s3], [sflag:s2] =	dma.local @!p0 [hbm:s0], s1  }
0x45: {  	s0 =	simm.s32 @!p0 $0x2  }
0x46: {  	_ =	swait.ge @!p0 [sflag:s0], s1  }
0x47: {  	s1 =	ssub.s32 @!p0 $0x0, s1;
	[sflag:s0] =	ssyncset.done @!p0 $0x0  }
0x48: {  	[sflag:s0] =	ssyncadd.s32 @!p0 s1  }
0x49: {  	[bflag:$0x3] =	sbarrier.arrive $0xFFFF  }
0x4a: {  	_ =	shalt  }

// kernel: kernel.7.cloned.1.call-start
scs
__scs_entry_jumppad:
0x0: {  	(pc) =	sbr.rel $0x88, $3  }
0x1: {  	(tag) =	ssettag $0x0;
	lr =	simm.s32 $0x1  }
0x2: {  	[smem:$0x3F96] =	sst lr;
	_ =	strace $0xD0000000  }
0x3: {  	_ = 	snop  }
0x4: {  	_ = 	snop  }
0x5: {  	_ = 	snop  }
0x6: {  	_ = 	snop  }
0x7: {  	_ = 	snop  }
__scs_overlays_trampoline_lowered:
0x8: {  	[smem:$0x3FA5] =	sst s0  }
0x9: {  	[smem:$0x3FA6] =	sst s1  }
0xa: {  	[smem:$0x3FA7] =	sst s2  }
0xb: {  	[smem:$0x3FA8] =	sst s3  }
0xc: {  	[smem:$0x3FA9] =	sst s4  }
0xd: {  	[smem:$0x3FAA] =	sst s5  }
0xe: {  	[smem:$0x3FAB] =	sst s6  }
0xf: {  	[smem:$0x3FAC] =	sst s7  }
0x10: {  	[smem:$0x3FAD] =	sst s8  }
0x11: {  	[smem:$0x3FAE] =	sst s9;
	s0 =	simm.s32 @!p0 $0x0  }
0x12: {  	s1 =	sld [smem:$0x3F94];
	s0 =	simm.s32 @p0 $0x1  }
0x13: {  	[smem:$0x3FAF] =	sst s0;
	s0 =	simm.s32 @!p1 $0x0  }
0x14: {  	s2 =	sld [smem:$0x3F93];
	s0 =	simm.s32 @p1 $0x1  }
0x15: {  	[smem:$0x3FB0] =	sst s0;
	s0 =	simm.s32 @!p2 $0x0  }
0x16: {  	s3 =	sld [smem:$0x3FDB];
	s0 =	simm.s32 @p2 $0x1  }
0x17: {  	s4 =	simm.s32 $0x1BF5;
	[smem:$0x3FB2] =	sst s0  }
0x18: {  	s0 =	sld [smem:$0x3F95];
	_ =	swait.ge [sflag:s4], $0x0  }
0x19: {  	s7 =	sld [smem:$0x3F96]  }
0x1a: {  	s8 =	sadd.s32 $0xFFFFE003, lr  }
0x1b: {  	s9 =	sadd.s32 $0xFFFFFEF7, lr;
	s5 =	simm.s32 $0xFFFFFFFF;
	p2 =	slt.u32 s8, $0xFFFFF086  }
0x1c: {  	p1 =	slt.u32 s9, $0xF7A;
	s5 =	simm.s32 @!p2 $0x0  }
0x1d: {  	s5 =	simm.s32 @p1 $0x1;
	p0 =	seq.s32 s7, s2  }
0x1e: {  	s7 =	smul.u32 @!p0 $0xF7A, s2;
	p2 =	seq.s32 @!p0 s5, $0x0  }
0x1f: {  	s9 =	smul.u32 $0xF7A, s1;
	s8 =	simm.s32 @!p0 $0x1BF5;
	p2 =	por !p2, p0  }
0x20: {  	[sflag:s8] =	ssyncset.s32 @!p0 $0xFFFFF086;
	s6 =	sadd.s32 @!p0 s3, s7;
	s7 =	simm.s32 @!p0 $0x108  }
0x21: {  	s3 =	sadd.s32 s3, s9;
	s6 =	sadd.s32 @!p0 $0x88, s6;
	s7 =	simm.s32 @p2 $0x1082  }
0x22: {  	[simem:s7], [sflag:s8] =	dma.local @!p0 [hbm:s6], $0xF7A  }
0x23: {  	s9 =	sor.u32 $0xD0000000, s2;
	s6 =	simm.s32 $0x108;
	_ =	swait.ge @!p0 [sflag:s8], $0x0  }
0x24: {  	s3 =	sadd.s32 $0x88, s3;
	s6 =	simm.s32 @!p1 $0x1082;
	[sflag:s4] =	ssyncset.s32 $0xFFFFF086  }
0x25: {  	[simem:s6], [sflag:s4] =	dma.local [hbm:s3], $0xF7A  }
0x26: {  	[smem:$0x3F96] =	sst s1;
	(tag) =	ssettag s2;
	_ =	strace s9  }
0x27: {  	s1 =	sld [smem:$0x3FA6]  }
0x28: {  	s2 =	sld [smem:$0x3FA7]  }
0x29: {  	s4 =	sld [smem:$0x3FA9]  }
0x2a: {  	p0 =	seq.s32 s5, $0x0;
	s5 =	sld [smem:$0x3FAA]  }
0x2b: {  	s6 =	sld [smem:$0x3FAB]  }
0x2c: {  	s7 =	sld [smem:$0x3FAC]  }
0x2d: {  	s3 =	simm.s32 $0x108;
	s8 =	sld [smem:$0x3FAD]  }
0x2e: {  	s3 =	simm.s32 @!p0 $0x1082;
	s9 =	sld [smem:$0x3FAE]  }
0x2f: {  	lr =	sadd.s32 s0, s3;
	s0 =	sld [smem:$0x3FA5]  }
0x30: {  	s3 =	sld [smem:$0x3FA8]  }
0x31: {  	[smem:$0x3FB1] =	sst s10  }
0x32: {  	s10 =	sld [smem:$0x3FAF];
	_ =	sdelay $0x3  }
0x33: {  	p0 =	seq.s32 s10, $0x1;
	s10 =	sld [smem:$0x3FB1];
	_ =	sdelay $0x3  }
0x34: {  	[smem:$0x3FB1] =	sst s10  }
0x35: {  	s10 =	sld [smem:$0x3FB0];
	_ =	sdelay $0x3  }
0x36: {  	p1 =	seq.s32 s10, $0x1;
	s10 =	sld [smem:$0x3FB1];
	_ =	sdelay $0x3  }
0x37: {  	[smem:$0x3FB1] =	sst s10  }
0x38: {  	s10 =	sld [smem:$0x3FB2]  }
0x39: {  	_ = 	snop;
	(pc) =	sbr.ind lr, $3  }
0x3a: {  	_ = 	snop  }
0x3b: {  	_ = 	snop  }
0x3c: {  	p2 =	seq.s32 s10, $0x1;
	s10 =	sld [smem:$0x3FB1]  }
0x3d: {  	_ =	shalt  }
0x3e: {  	_ =	shalt  }
0x3f: {  	_ =	shalt  }
0x40: {  	_ =	shalt  }
0x41: {  	_ =	shalt  }
0x42: {  	_ =	shalt  }
0x43: {  	_ =	shalt  }
0x44: {  	_ =	shalt  }
0x45: {  	_ =	shalt  }
0x46: {  	_ =	shalt  }
0x47: {  	_ =	shalt  }
0x48: {  	_ =	shalt  }
0x49: {  	_ =	shalt  }
0x4a: {  	_ =	shalt  }
0x4b: {  	_ =	shalt  }
0x4c: {  	_ =	shalt  }
0x4d: {  	_ =	shalt  }
0x4e: {  	_ =	shalt  }
0x4f: {  	_ =	shalt  }
0x50: {  	_ =	shalt  }
0x51: {  	_ =	shalt  }
0x52: {  	_ =	shalt  }
0x53: {  	_ =	shalt  }
0x54: {  	_ =	shalt  }
0x55: {  	_ =	shalt  }
0x56: {  	_ =	shalt  }
0x57: {  	_ =	shalt  }
0x58: {  	_ =	shalt  }
0x59: {  	_ =	shalt  }
0x5a: {  	_ =	shalt  }
0x5b: {  	_ =	shalt  }
0x5c: {  	_ =	shalt  }
0x5d: {  	_ =	shalt  }
0x5e: {  	_ =	shalt  }
0x5f: {  	_ =	shalt  }
0x60: {  	_ =	shalt  }
0x61: {  	_ =	shalt  }
0x62: {  	_ =	shalt  }
0x63: {  	_ =	shalt  }
0x64: {  	_ =	shalt  }
0x65: {  	_ =	shalt  }
0x66: {  	_ =	shalt  }
0x67: {  	_ =	shalt  }
0x68: {  	_ =	shalt  }
0x69: {  	_ =	shalt  }
0x6a: {  	_ =	shalt  }
0x6b: {  	_ =	shalt  }
0x6c: {  	_ =	shalt  }
0x6d: {  	_ =	shalt  }
0x6e: {  	_ =	shalt  }
0x6f: {  	_ =	shalt  }
0x70: {  	_ =	shalt  }
0x71: {  	_ =	shalt  }
0x72: {  	_ =	shalt  }
0x73: {  	_ =	shalt  }
0x74: {  	_ =	shalt  }
0x75: {  	_ =	shalt  }
0x76: {  	_ =	shalt  }
0x77: {  	_ =	shalt  }
0x78: {  	_ =	shalt  }
0x79: {  	_ =	shalt  }
0x7a: {  	_ =	shalt  }
0x7b: {  	_ =	shalt  }
0x7c: {  	_ =	shalt  }
0x7d: {  	_ =	shalt  }
0x7e: {  	_ =	shalt  }
0x7f: {  	_ =	shalt  }
0x80: {  	_ =	shalt  }
0x81: {  	_ =	shalt  }
0x82: {  	_ =	shalt  }
0x83: {  	_ =	shalt  }
0x84: {  	_ =	shalt  }
0x85: {  	_ =	shalt  }
0x86: {  	_ =	shalt  }
0x87: {  	_ =	shalt  }
.Lfunc_end0:
.L_simem_size_0:
called_computation_lowered:
.L_overlay_start_0:
0x88: {  	s2 =	sld [smem:$0x3FD9]  }
0x89: {  	s3 =	sld [smem:$0x3FFE];
	_ =	sdelay $0x1  }
0x8a: {  	s1 =	srdreg.scid  }
0x8b: {  	s0 =	sand.u32 $0x1, s1  }
0x8c: {  	s17 =	sshll.u32 s0, $0xA;
	s2 =	sadd.s32 s3, s2  }
0x8d: {  	s2 =	sadd.s32 s2, s17  }
0x8e: {  	[smem:$0x3FBD] =	sst s2  }
0x8f: {  	_ = 	snop  }
0x90: {  	(tm) =	ssettm $0x1  }
0x91: {  	s18 =	sld [smem:$0x3FFB];
	_ =	sdelay $0x3  }
0x92: {  	_ =	strace s18  }
0x93: {  	s2 =	sld [smem:$0x3FFC];
	_ =	sdelay $0x3  }
0x94: {  	_ =	strace s2  }
0x95: {  	s2 =	sld [smem:$0x3FFD];
	_ =	sdelay $0x3  }
0x96: {  	_ =	strace s2  }
0x97: {  	_ =	strace $0x8FFFFFFF  }
0x98: {  	s19 =	sld [smem:$0x3FDB];
	_ =	sdelay $0x1  }
0x99: {  	s20 =	simm.s32 $_scs_section_size  }
0x9a: {  	s4 =	simm.s32 $_size__tile_overlayer_lowered;
	s5 =	simm.s32 $_tile_overlayer_lowered  }
0x9b: {  	s6 =	simm.s32 $0x1BFF;
	s21 =	sshll.u32 s5, $0x1;
	s3 =	sadd.s32 s20, s19  }
0x9c: {  	s22 =	simm.s32 $0x0;
	s4 =	sshll.u32 s4, $0x1;
	s5 =	sadd.s32 s21, s3  }
0x9d: {  	[timem:s22], [sflag:s6] =	dma.local [hbm:s5], s4  }
0x9e: {  	_ =	swait.ge [sflag:s6], s4  }
0x9f: {  	s4 =	ssub.s32 $0x0, s4;
	[sflag:s6] =	ssyncset.done $0x0  }
0xa0: {  	[sflag:s6] =	ssyncadd.s32 s4;
	_ =	sdelay $0x1  }
0xa1: {  	s23 =	simm.s32 $0x1B8B  }
0xa2: {  	_ =	swait.ge [sflag:s23], $0x1  }
0xa3: {  	[sflag:s23] =	ssyncset.done $0x0  }
0xa4: {  	[sflag:s23] =	ssyncadd.s32 $0xFFFFFFFF  }
0xa5: {  	s4 =	sld [smem:$0x0]  }
0xa6: {  	s5 =	sand.u32 $0xFFFFFFFE, s1  }
0xa7: {  	p0 =	sne.s32 s1, s5  }
0xa8: {  	s5 =	sshll.u32 @p0 s5, $0xE  }
0xa9: {  	s5 =	sadd.s32 @p0 $0x11B8D, s5;
	s6 =	sshll.u32 @p0 s4, $0x11  }
0xaa: {  	s5 =	sor.u32 @p0 s6, s5  }
0xab: {  	[sflag:s5] =	ssyncadd.remote.s32 @p0 $0x1;
	_ =	sdelay $0x1  }
0xac: {  	s5 =	simm.s32 @p0 $0x1B8D  }
0xad: {  	_ =	swait.eq @p0 [sflag:s5], $0x1  }
0xae: {  	[sflag:s5] =	ssyncadd.s32 @p0 $0xFFFFFFFF  }
0xaf: {  	s6 =	sshll.u32 @!p0 s1, $0xE  }
0xb0: {  	s6 =	sor.u32 @!p0 $0x4000, s6;
	s5 =	simm.s32 @!p0 $0x1B8D  }
0xb1: {  	s4 =	sshll.u32 @!p0 s4, $0x11;
	s6 =	sadd.s32 @!p0 $0x11B8D, s6;
	_ =	swait.eq @!p0 [sflag:s5], $0x1  }
0xb2: {  	s4 =	sor.u32 @!p0 s4, s6;
	[sflag:s5] =	ssyncadd.s32 @!p0 $0xFFFFFFFF  }
0xb3: {  	s25 =	simm.s32 $0x1B8E;
	s24 =	sld [smem:$0x3FFE];
	[sflag:s4] =	ssyncadd.remote.s32 @!p0 $0x1  }
0xb4: {  	s26 =	simm.s32 $execute0_lowered;
	[smem:$0x3FD2] =	sst s25  }
0xb5: {  	s5 =	sshll.u32 s26, $0x1;
	_ =	strace $0x80000049;
	[dreg:$0x1] =	wrdreg $0xFFFFFFFF  }
0xb6: {  	s28 =	simm.s32 $_size_execute0_lowered;
	s3 =	sadd.s32 s3, s5;
	[dreg:$0x0] =	wrdreg $0x0  }
0xb7: {  	s5 =	sshll.u32 s28, $0x1;
	[dreg:$0x2] =	wrdreg s3  }
0xb8: {  	[dreg:$0x3] =	wrdreg s5  }
0xb9: {  	[dreg:$0x4] =	wrdreg $0xC0  }
0xba: {  	_ =	task [dreg:s22], $0x5FFFF  }
0xbb: {  	[dreg:$0x1] =	wrdreg $0xFFFFFFFF  }
0xbc: {  	[dreg:$0x0] =	wrdreg $0x60  }
0xbd: {  	[dreg:$0x2] =	wrdreg s24  }
0xbe: {  	[dreg:$0x3] =	wrdreg $0x90000  }
0xbf: {  	[dreg:$0x4] =	wrdreg $0x9  }
0xc0: {  	_ =	task.clear_ibuf [dreg:s22], $0x5FFFF;
	_ =	strace $0x90000049  }
0xc1: {  	s29 =	simm.s32 $0x9;
	_ =	strace $0x8000004B  }
0xc2: {  	_ =	swait.ge [sflag:s29], $0x1  }
0xc3: {  	[sflag:s29] =	ssyncadd.s32 $0xFFFFFFFF  }
0xc4: {  	_ =	strace $0x9000004B  }
0xc5: {  	_ =	sfence  }
0xc6: {  	s30 =	sld [smem:$0x0];
	_ =	sdelay $0x2  }
0xc7: {  	s31 =	sshll.u32 s1, $0xD;
	s1 =	sshrl.u32 s1, $0x2  }
0xc8: {  	s4 =	sand.u32 $0x4000, s31;
	s1 =	sadd.s32 s1, s30  }
0xc9: {  	s0 =	sor.u32 s4, s0;
	s1 =	sshll.u32 s1, $0x11  }
0xca: {  	s0 =	sor.u32 s1, s0  }
0xcb: {  	s0 =	sadd.s32 $0x8F2B, s0  }
0xcc: {  	[sflag:s0] =	ssyncadd.remote.s32 $0x1  }
0xcd: {  	_ =	sfence.sel $0xFFFF  }
0xce: {  	[dreg:$0x0] =	wrdreg $0xFFFFFFFF;
	(pc) =	sbr.abs _section_cstart, $3  }
0xcf: {  	[dreg:$0x1] =	wrdreg $0xFFFFFFFF  }
0xd0: {  	_ =	task.clear_ibuf [dreg:s22], $0x2FFFF;
	_ =	strace $0x9FFFFFFF  }
0xd1: {  	(tm) =	ssettm $0x7FFFFFFF  }
tec
execute0_lowered:
.L_overlay_start_1:
0x0: {  	(tag) =	ssettag $0x1  }
0x1: {  	s5 =	rddreg [dreg:$0x0]  }
0x2: {  	s0 =	srdreg.scid;
	s2 =	rddreg [dreg:$0x1]  }
0x3: {  	s1 =	rddreg [dreg:$0x2];
	s3 =	simm.s32 $0x0;
	s6 =	sand.u32 $0x1, s0  }
0x4: {  	s14 =	simm.s32 $0x80;
	s0 =	stileid.u32;
	s4 =	smul.u32 $0x28000, s6  }
0x5: {  	s15 =	simm.s32 $0x5000;
	s16 =	simm.s32 $0x1;
	s7 =	smul.u32 $0x2800, s0  }
0x6: {  	s17 =	simm.s32 $0x0;
	[smem:$0x7FF] =	sst s3;
	s28 =	smul.u32 $0x14000, s0  }
0x7: {  	_ =	strace $0x8000004A;
	s9 =	smul.u32 $0x140000, s6;
	s6 =	ssub.s32 $0x2, s6  }
0x8: {  	s29 =	smul.u32 $0x50000, s0;
	s31 =	sshll.u32 s0, $0x6;
	s11 =	sshrl.u32 s6, $0x1  }
0x9: {  	s4 =	sadd.s32 s7, s4;
	s10 =	sshrl.u32 s28, $0x3;
	s7 =	sadd.s32 s28, s9  }
0xa: {  	s11 =	ssub.s32 s6, s11;
	s30 =	sshrl.u32 s29, $0x2;
	s6 =	sor.u32 $0x1C02, s31  }
0xb: {  	s8 =	sshrl.u32 s4, $0x3;
	s4 =	sadd.s32 $0x39E00, s5;
	s10 =	sadd.s32 s10, s5  }
0xc: {  	s7 =	sshrl.u32 s7, $0x3;
	s13 =	sadd.s32 s30, s2;
	s8 =	sadd.s32 s8, s5  }
0xd: {  	s12 =	sadd.s32 s7, s5;
	s5 =	sadd.s32 $0x6BE00, s10;
	s10 =	smax.u32 s11, $0x1  }
0xe: {  	s11 =	sshrl.u32 s13, $0x3;
	s13 =	simm.s32 $0x2800;
	s7 =	sadd.s32 $0x61E00, s8  }
0xf: {  	s8 =	sadd.s32 $0x2FE00, s8;
	s9 =	sadd.s32 $0x93E00, s12;
	s12 =	simm.s32 $0x2  }
.LBB2_1:
0x10: {  	[spmem:s11], [sflag:s6] =	dma.local [hbm:s5], $0x2800  }
0x11: {  	_ =	swait.ge [sflag:s12], $0x2800  }
0x12: {  	[sflag:s12] =	ssyncset.done $0x0  }
0x13: {  	[sflag:s12] =	ssyncadd.s32 $0xFFFFD800  }
0x14: {  	[tilespmem:s3], [sflag:$0x2] =	stream.linear.gather [hbm4b:s7+s3], $0x2780, $0x38;
	[tilespmem:$0x1D000] =	vst v63  }
0x15: {  	_ =	swait.ge [sflag:s12], $0x2780  }
0x16: {  	[sflag:s12] =	ssyncset.done $0x0  }
0x17: {  	[sflag:s12] =	ssyncadd.s32 $0xFFFFD880  }
0x18: {  	[tilespmem:s13], [sflag:$0x2] =	stream.linear.gather [hbm4b:s8+s3], $0x2780, $0x38;
	[tilespmem:$0x1D000] =	vst v63  }
0x19: {  	_ =	swait.ge [sflag:s12], $0x2780  }
0x1a: {  	[sflag:s12] =	ssyncset.done $0x0  }
0x1b: {  	[sflag:s12] =	ssyncadd.s32 $0xFFFFD880  }
0x1c: {  	s18 =	simm.s32 $0x0;
	[bflag:$0x0] =	sbarrier.arrive $0xFFFF  }
0x1d: {  	[tilespmem:s15], [sflag:$0x1] =	stream.indirect.gather [hbm4b:s4+s14], $0x80, s18, s14, $0xb8;
	[tilespmem:$0x1D000] =	vst v63  }
0x1e: {  	_ =	swait.ge [sflag:s16], $0x4000  }
0x1f: {  	[sflag:s16] =	ssyncset.done $0x0  }
0x20: {  	s31 =	simm.s32 $0x2800;
	[sflag:s16] =	ssyncadd.s32 $0xFFFFC000  }
0x21: {  	[spmem:s2] =	stream.indirect.scatter.add.f32 [tilespmem:s15], [sflag:$0x2], $0x80, s31, s14, $0xb8;
	[tilespmem:$0x1D000] =	vst v63  }
0x22: {  	_ =	swait.ge [sflag:s12], $0x4000  }
0x23: {  	s19 =	simm.s32 $0x400;
	s18 =	simm.s32 $0x200;
	[sflag:s12] =	ssyncset.done $0x0  }
.LBB2_2:
0x24: {  	s20 =	sshra.s32 s18, $0x2  }
0x25: {  	[sflag:s12] =	ssyncadd.s32 $0xFFFFC000;
	s18 =	smov.u32 s19;
	s21 =	sadd.s32 $0x200, s19  }
0x26: {  	[tilespmem:s15], [sflag:$0x1] =	stream.indirect.gather [hbm4b:s4+s14], $0x80, s20, s14, $0xb8;
	[tilespmem:$0x1D000] =	vst v63  }
0x27: {  	p0 =	sne.s32 s19, $0x9C00;
	_ =	swait.ge [sflag:s16], $0x4000  }
.Ltmp0:
0x28: {  	[sflag:s16] =	ssyncset.done $0x0;
	(pc) =	sbr.rel @p0 .LBB2_2-.Ltmp0, $4  }
0x29: {  	s19 =	sadd.s32 $0x2800, s20;
	[sflag:s16] =	ssyncadd.s32 $0xFFFFC000  }
0x2a: {  	[spmem:s2] =	stream.indirect.scatter.add.f32 [tilespmem:s15], [sflag:$0x2], $0x80, s19, s14, $0xb8;
	[tilespmem:$0x1D000] =	vst v63  }
0x2b: {  	_ =	swait.ge [sflag:s12], $0x4000  }
0x2c: {  	s19 =	smov.u32 s21;
	[sflag:s12] =	ssyncset.done $0x0  }
0x2d: {  	s18 =	sshra.s32 s18, $0x2;
	[sflag:s12] =	ssyncadd.s32 $0xFFFFC000  }
0x2e: {  	[tilespmem:s15], [sflag:$0x1] =	stream.indirect.gather [hbm4b:s4+s14], $0x80, s18, s14, $0xb8;
	[tilespmem:$0x1D000] =	vst v63  }
0x2f: {  	_ =	swait.ge [sflag:s16], $0x4000  }
0x30: {  	[sflag:s16] =	ssyncset.done $0x0  }
0x31: {  	s18 =	sadd.s32 $0x2800, s18;
	[sflag:s16] =	ssyncadd.s32 $0xFFFFC000  }
0x32: {  	[spmem:s2] =	stream.indirect.scatter.add.f32 [tilespmem:s15], [sflag:$0x2], $0x80, s18, s14, $0xb8;
	[tilespmem:$0x1D000] =	vst v63  }
0x33: {  	_ =	swait.ge [sflag:s12], $0x4000  }
0x34: {  	s17 =	sadd.s32 $0x1, s17;
	[sflag:s12] =	ssyncset.done $0x0  }
0x35: {  	p0 =	sne.s32 s17, s10;
	[sflag:s12] =	ssyncadd.s32 $0xFFFFC000  }
.Ltmp1:
0x36: {  	[bflag:$0x0] =	sbarrier.arrive $0xFFFF;
	(pc) =	sbr.rel @p0 .LBB2_1-.Ltmp1, $4  }
0x37: {  	[hbm:s9], [sflag:s6] =	dma.local [spmem:s11], $0x2800  }
0x38: {  	_ =	swait.ge [sflag:s12], $0x2800  }
0x39: {  	[sflag:s12] =	ssyncset.done $0x0  }
0x3a: {  	[sflag:s12] =	ssyncadd.s32 $0xFFFFD800  }
0x3b: {  	_ =	sfence.sel $0x180000  }
0x3c: {  	[bflag:$0x0] =	sbarrier.arrive $0xFFFF  }
0x3d: {  	p0 =	sne.s32 s0, $0x0;
	_ =	strace $0x9000004A  }
0x3e: {  	s0 =	sadd.s32 @!p0 $0x100000, s1;
	[bflag:$0x2] =	sbarrier.arrive $0xFFFF  }
0x3f: {  	[sflag:s0] =	ssyncadd.tile.s32 @!p0 $0x1;
	_ =	shalt  }
.Lfunc_end2:
_tile_overlayer_lowered:
.L_overlay_start_2:
0x40: {  	(tag) =	ssettag $0x2  }
0x41: {  	s0 =	rddreg [dreg:$0x0];
	s2 =	stileid.u32  }
0x42: {  	s1 =	rddreg [dreg:$0x1];
	p0 =	sne.s32 s2, $0x0  }
0x43: {  	s3 =	rddreg [dreg:$0x2];
	[bflag:$0x3] =	sbarrier.arrive $0xFFFF;
	s2 =	simm.s32 @!p0 $0x1C02  }
0x44: {  	[timem:s3], [sflag:s2] =	dma.local @!p0 [hbm:s0], s1  }
0x45: {  	s0 =	simm.s32 @!p0 $0x2  }
0x46: {  	_ =	swait.ge @!p0 [sflag:s0], s1  }
0x47: {  	s1 =	ssub.s32 @!p0 $0x0, s1;
	[sflag:s0] =	ssyncset.done @!p0 $0x0  }
0x48: {  	[sflag:s0] =	ssyncadd.s32 @!p0 s1  }
0x49: {  	[bflag:$0x3] =	sbarrier.arrive $0xFFFF  }
0x4a: {  	_ =	shalt  }

</sc_bundles>
